<compile_context>
chip_gen: v7x
topology: tpu7x:2x2x1
jax: 0.10.2.dev20260603
libtpu: 0.0.44.dev20260713+nightly
codegen_flags: <defaults>
</compile_context>

<pallas_src>
import functools

import jax
import jax.numpy as jnp
from jax import lax
from jax.experimental import pallas as pl
from jax.experimental.pallas import tpu as pltpu
from jax.experimental.pallas import tpu_sc as plsc

_B = 16384
_NW = 32
_RPW = _B // _NW
_GROUPS = _RPW // 16
_BETA = 10.0
_NEWTON_ITERS = 1


def _sqrt16(x):
    xc = jnp.maximum(x, jnp.float32(1e-30))
    i = plsc.bitcast(xc, jnp.int32)
    i = jnp.int32(0x5F3759DF) - lax.shift_right_arithmetic(i, 1)
    y = plsc.bitcast(i, jnp.float32)
    for _ in range(_NEWTON_ITERS):
        y = y * (jnp.float32(1.5) - jnp.float32(0.5) * xc * y * y)
    return xc * y


def _bcast(vec, k):
    lanes = lax.iota(jnp.int32, 16)
    s = jnp.sum(jnp.where(lanes == k, vec, jnp.float32(0.0)))
    return jnp.full((16,), s, jnp.float32)


def _sc_body(pk_hbm, t0_hbm, t1_hbm, w0_hbm, w1_hbm,
             out_hbm, pk_v, t0_v, t1_v, par_v, out_v, sem):
    wid = lax.axis_index("s") * 2 + lax.axis_index("c")
    base = wid * _RPW
    cps = [pltpu.async_copy(pk_hbm.at[s, pl.ds(base, _RPW)],
                            pk_v.at[pl.ds(s * _RPW, _RPW)], sem)
           for s in range(9)]
    cps.append(pltpu.async_copy(t0_hbm, t0_v, sem))
    cps.append(pltpu.async_copy(t1_hbm, t1_v, sem))
    cps.append(pltpu.async_copy(w0_hbm, par_v.at[pl.ds(0, 2)], sem))
    cps.append(pltpu.async_copy(w1_hbm, par_v.at[pl.ds(8, 2)], sem))
    for c in cps:
        c.wait()

    zero16 = jnp.zeros((16,), jnp.int32)
    one16 = jnp.full((16,), 1, jnp.int32)
    b2 = jnp.float32(_BETA * _BETA)
    par16 = par_v[...]
    wb = [_bcast(par16, 0) * b2, _bcast(par16, 1) * b2,
          _bcast(par16, 8) * b2, _bcast(par16, 9) * b2]

    @plsc.parallel_loop(0, _GROUPS, unroll=8)
    def group(g):
        col = g * 16
        stim = [pk_v[pl.ds(s * _RPW + col, 16)].astype(jnp.int32)
                for s in range(5)]
        pg0 = pk_v[pl.ds(5 * _RPW + col, 16)]
        pg1 = pk_v[pl.ds(6 * _RPW + col, 16)]
        kg0 = pk_v[pl.ds(7 * _RPW + col, 16)]
        kg1 = pk_v[pl.ds(8 * _RPW + col, 16)]
        zx, zy = [], []
        for s in range(5):
            ax = plsc.load_gather(t0_v, [stim[s], zero16])
            ay = plsc.load_gather(t0_v, [stim[s], one16])
            bx = plsc.load_gather(t1_v, [stim[s], zero16])
            by = plsc.load_gather(t1_v, [stim[s], one16])
            zx.append(pg0 * ax + pg1 * bx)
            zy.append(pg0 * ay + pg1 * by)
        sv = []
        for j in range(1, 5):
            dx = zx[0] - zx[j]
            dy = zy[0] - zy[j]
            sx = dx * dx
            sy = dy * dy
            s0 = jnp.exp(-_sqrt16(wb[0] * sx + wb[1] * sy))
            s1 = jnp.exp(-_sqrt16(wb[2] * sx + wb[3] * sy))
            sv.append(kg0 * s0 + kg1 * s1)
        tot = (sv[0] + sv[1]) + (sv[2] + sv[3])
        rn = jnp.float32(1.0) / tot
        for j in range(4):
            out_v[pl.ds(j * _RPW + col, 16)] = sv[j] * rn

    ocps = [pltpu.async_copy(out_v.at[pl.ds(j * _RPW, _RPW)],
                             out_hbm.at[j, pl.ds(base, _RPW)], sem)
            for j in range(4)]
    for c in ocps:
        c.wait()


_sc_call = functools.partial(
    pl.kernel,
    out_type=jax.ShapeDtypeStruct((4, _B), jnp.float32),
    mesh=plsc.VectorSubcoreMesh(core_axis_name="c", subcore_axis_name="s"),
    compiler_params=pltpu.CompilerParams(needs_layout_passes=False,
                                         use_tc_tiling_on_sc=False),
    scratch_types=[
        pltpu.VMEM((9 * _RPW,), jnp.float32),
        pltpu.VMEM((31, 2), jnp.float32),
        pltpu.VMEM((31, 2), jnp.float32),
        pltpu.VMEM((16,), jnp.float32),
        pltpu.VMEM((4 * _RPW,), jnp.float32),
        pltpu.SemaphoreType.DMA,
    ],
)(_sc_body)


def kernel(given4rank1_stimulus_set, percept_gate_weights,
           kernel_gate_weights, table0, table1, w0, w1):
    packed = jnp.concatenate([
        given4rank1_stimulus_set.T.astype(jnp.float32),
        percept_gate_weights.T,
        kernel_gate_weights.T,
    ], axis=0)
    out_t = _sc_call(packed, table0, table1, w0, w1)
    return out_t.T

# --- scband reference (transcript-rebuilt; emitter-appended) ---
"""Pipeline reference for scband-rank-model-c-39273180954753 (READ-ONLY COPY).

The authoritative reference and input builder live on the scoring server;
editing this copy changes nothing except your own understanding.
"""

import jax, jax.numpy as jnp
import numpy as np

B = 16384
N_STIMULI = 30
N_DIM = 2


def setup_inputs(seed: int = 0) -> dict:
    key = jax.random.key(seed)
    k1, k2, k3, k4, k5 = jax.random.split(key, 5)
    # stimulus indices in [1, n_stimuli]; 0 is the mask index and is avoided
    stimulus_set = jax.random.randint(k1, (B, 5), 1, N_STIMULI + 1).astype(jnp.int32)
    percept_gate_weights = jax.random.uniform(k2, (B, 2), dtype=jnp.float32)
    kernel_gate_weights = jax.random.uniform(k3, (B, 2), dtype=jnp.float32)
    # learned embedding tables (n_stimuli + 1 rows because of mask_zero)
    table0 = jax.random.uniform(k4, (N_STIMULI + 1, N_DIM), minval=-0.05, maxval=0.05, dtype=jnp.float32)
    table1 = jax.random.uniform(k5, (N_STIMULI + 1, N_DIM), minval=-0.05, maxval=0.05, dtype=jnp.float32)
    # Minkowski per-dimension weights (initializers from the model)
    w0 = jnp.array([1.2, 0.8], dtype=jnp.float32)
    w1 = jnp.array([0.7, 1.3], dtype=jnp.float32)
    return {
        "given4rank1_stimulus_set": stimulus_set,
        "percept_gate_weights": percept_gate_weights,
        "kernel_gate_weights": kernel_gate_weights,
        "table0": table0,
        "table1": table1,
        "w0": w0,
        "w1": w1,
    }


def reference(given4rank1_stimulus_set, percept_gate_weights, kernel_gate_weights, table0, table1, w0, w1):
    rho = 2.0
    beta = 10.0
    tau = 1.0
    gamma = 0.0
    idx = given4rank1_stimulus_set
    # BraidGate over two percept embeddings: weighted blend of embedding lookups
    z0 = jnp.take(table0, idx, axis=0)  # [B, 5, 2]
    z1 = jnp.take(table1, idx, axis=0)  # [B, 5, 2]
    g = percept_gate_weights
    z = g[:, 0, None, None] * z0 + g[:, 1, None, None] * z1  # [B, 5, 2]
    # split query / references along stimuli axis (axis=1)
    z_q = z[:, :1, :]   # [B, 1, 2]
    z_r = z[:, 1:, :]   # [B, 4, 2]
    diff = jnp.abs(z_q - z_r)  # [B, 4, 2]
    # weighted Minkowski distance (rho=2, not trainable)
    d0 = jnp.power(jnp.sum(w0 * jnp.power(diff, rho), axis=-1), 1.0 / rho)  # [B, 4]
    d1 = jnp.power(jnp.sum(w1 * jnp.power(diff, rho), axis=-1), 1.0 / rho)  # [B, 4]
    # shared ExponentialSimilarity: exp(-beta * d^tau) + gamma
    s0 = jnp.exp(-beta * jnp.power(d0, tau)) + gamma
    s1 = jnp.exp(-beta * jnp.power(d1, tau)) + gamma
    kg = kernel_gate_weights
    s = kg[:, 0, None] * s0 + kg[:, 1, None] * s1  # [B, 4]
    # SoftRank with n_select=1 -> Luce choice rule: probability proportional to similarity
    out = s / jnp.sum(s, axis=-1, keepdims=True)
    return out

if __name__ == "__main__":
    import jax
    _d = setup_inputs()
    print(jax.jit(kernel)(*tuple(_d.values())))

</pallas_src>

<mosaic_0001>
#map = affine_map<(d0, d1) -> (0, 0)>
#map1 = affine_map<(d0, d1) -> (0)>
module attributes {stable_mosaic.version = 14 : i64} {
  func.func @_sc_body(%arg0: i32, %arg1: i32, %arg2: memref<9x16384xf32, #tpu.memory_space<hbm>>, %arg3: memref<31x2xf32, #tpu.memory_space<hbm>>, %arg4: memref<31x2xf32, #tpu.memory_space<hbm>>, %arg5: memref<2xf32, #tpu.memory_space<hbm>>, %arg6: memref<2xf32, #tpu.memory_space<hbm>>, %arg7: memref<4x16384xf32, #tpu.memory_space<hbm>>, %arg8: memref<4608xf32, #tpu.memory_space<vmem>>, %arg9: memref<31x2xf32, #tpu.memory_space<vmem>>, %arg10: memref<31x2xf32, #tpu.memory_space<vmem>>, %arg11: memref<16xf32, #tpu.memory_space<vmem>>, %arg12: memref<2048xf32, #tpu.memory_space<vmem>>, %arg13: memref<!tpu.dma_semaphore, #tpu.memory_space<semaphore_mem>>) attributes {dimension_semantics = [#tpu.dimension_semantics<core_parallel>, #tpu.dimension_semantics<subcore_parallel>], iteration_bounds = array<i64: 2, 16>, scalar_prefetch = 0 : i64, scratch_operands = 6 : i64, tpu.core_type = #tpu.core_type<sc_vector_subcore>, window_params = [{transform_indices = #map}, {transform_indices = #map}, {transform_indices = #map}, {transform_indices = #map1}, {transform_indices = #map1}, {transform_indices = #map}]} {
    %mul3A = arith.constant 2 : i32
    %mul3A_0 = arith.muli %arg1, %mul3A : i32
    %add3A = arith.addi %mul3A_0, %arg0 : i32
    %mul3A_1 = arith.constant 512 : i32
    %mul3A_2 = arith.muli %add3A, %mul3A_1 : i32
    %dma_start3A = arith.constant 0 : i32
    %dma_start3A_3 = arith.constant 0 : i32
    %dma_start3A_4 = tpu.memref_slice %arg8[%dma_start3A_3] : memref<4608xf32, #tpu.memory_space<vmem>> -> memref<512xf32, #tpu.memory_space<vmem>>
    %dma_start3A_5 = tpu.memref_slice %arg2[%dma_start3A, %mul3A_2] : memref<9x16384xf32, #tpu.memory_space<hbm>> -> memref<1x512xf32, #tpu.memory_space<hbm>>
    %dma_start3A_6 = tpu.memref_squeeze %dma_start3A_5 : memref<1x512xf32, #tpu.memory_space<hbm>> -> memref<512xf32, #tpu.memory_space<hbm>>
    %dma_start3A_7 = arith.constant 0 : i32
    %dma_start3A_8 = tpu.memref_slice %arg8[%dma_start3A_7] : memref<4608xf32, #tpu.memory_space<vmem>> -> memref<512xf32, #tpu.memory_space<vmem>>
    %dma_start3A_9 = tpu.memref_slice %arg2[%dma_start3A, %mul3A_2] : memref<9x16384xf32, #tpu.memory_space<hbm>> -> memref<1x512xf32, #tpu.memory_space<hbm>>
    %dma_start3A_10 = tpu.memref_squeeze %dma_start3A_9 : memref<1x512xf32, #tpu.memory_space<hbm>> -> memref<512xf32, #tpu.memory_space<hbm>>
    tpu.enqueue_dma source(%dma_start3A_10 : memref<512xf32, #tpu.memory_space<hbm>>) target(%dma_start3A_8 : memref<512xf32, #tpu.memory_space<vmem>>) target_semaphore(%arg13 : memref<!tpu.dma_semaphore, #tpu.memory_space<semaphore_mem>>)
    %dma_start3A_11 = arith.constant 1 : i32
    %dma_start3A_12 = arith.constant 512 : i32
    %dma_start3A_13 = tpu.memref_slice %arg8[%dma_start3A_12] : memref<4608xf32, #tpu.memory_space<vmem>> -> memref<512xf32, #tpu.memory_space<vmem>>
    %dma_start3A_14 = tpu.memref_slice %arg2[%dma_start3A_11, %mul3A_2] : memref<9x16384xf32, #tpu.memory_space<hbm>> -> memref<1x512xf32, #tpu.memory_space<hbm>>
    %dma_start3A_15 = tpu.memref_squeeze %dma_start3A_14 : memref<1x512xf32, #tpu.memory_space<hbm>> -> memref<512xf32, #tpu.memory_space<hbm>>
    %dma_start3A_16 = arith.constant 512 : i32
    %dma_start3A_17 = tpu.memref_slice %arg8[%dma_start3A_16] : memref<4608xf32, #tpu.memory_space<vmem>> -> memref<512xf32, #tpu.memory_space<vmem>>
    %dma_start3A_18 = tpu.memref_slice %arg2[%dma_start3A_11, %mul3A_2] : memref<9x16384xf32, #tpu.memory_space<hbm>> -> memref<1x512xf32, #tpu.memory_space<hbm>>
    %dma_start3A_19 = tpu.memref_squeeze %dma_start3A_18 : memref<1x512xf32, #tpu.memory_space<hbm>> -> memref<512xf32, #tpu.memory_space<hbm>>
    tpu.enqueue_dma source(%dma_start3A_19 : memref<512xf32, #tpu.memory_space<hbm>>) target(%dma_start3A_17 : memref<512xf32, #tpu.memory_space<vmem>>) target_semaphore(%arg13 : memref<!tpu.dma_semaphore, #tpu.memory_space<semaphore_mem>>)
    %dma_start3A_20 = arith.constant 2 : i32
    %dma_start3A_21 = arith.constant 1024 : i32
    %dma_start3A_22 = tpu.memref_slice %arg8[%dma_start3A_21] : memref<4608xf32, #tpu.memory_space<vmem>> -> memref<512xf32, #tpu.memory_space<vmem>>
    %dma_start3A_23 = tpu.memref_slice %arg2[%dma_start3A_20, %mul3A_2] : memref<9x16384xf32, #tpu.memory_space<hbm>> -> memref<1x512xf32, #tpu.memory_space<hbm>>
    %dma_start3A_24 = tpu.memref_squeeze %dma_start3A_23 : memref<1x512xf32, #tpu.memory_space<hbm>> -> memref<512xf32, #tpu.memory_space<hbm>>
    %dma_start3A_25 = arith.constant 1024 : i32
    %dma_start3A_26 = tpu.memref_slice %arg8[%dma_start3A_25] : memref<4608xf32, #tpu.memory_space<vmem>> -> memref<512xf32, #tpu.memory_space<vmem>>
    %dma_start3A_27 = tpu.memref_slice %arg2[%dma_start3A_20, %mul3A_2] : memref<9x16384xf32, #tpu.memory_space<hbm>> -> memref<1x512xf32, #tpu.memory_space<hbm>>
    %dma_start3A_28 = tpu.memref_squeeze %dma_start3A_27 : memref<1x512xf32, #tpu.memory_space<hbm>> -> memref<512xf32, #tpu.memory_space<hbm>>
    tpu.enqueue_dma source(%dma_start3A_28 : memref<512xf32, #tpu.memory_space<hbm>>) target(%dma_start3A_26 : memref<512xf32, #tpu.memory_space<vmem>>) target_semaphore(%arg13 : memref<!tpu.dma_semaphore, #tpu.memory_space<semaphore_mem>>)
    %dma_start3A_29 = arith.constant 3 : i32
    %dma_start3A_30 = arith.constant 1536 : i32
    %dma_start3A_31 = tpu.memref_slice %arg8[%dma_start3A_30] : memref<4608xf32, #tpu.memory_space<vmem>> -> memref<512xf32, #tpu.memory_space<vmem>>
    %dma_start3A_32 = tpu.memref_slice %arg2[%dma_start3A_29, %mul3A_2] : memref<9x16384xf32, #tpu.memory_space<hbm>> -> memref<1x512xf32, #tpu.memory_space<hbm>>
    %dma_start3A_33 = tpu.memref_squeeze %dma_start3A_32 : memref<1x512xf32, #tpu.memory_space<hbm>> -> memref<512xf32, #tpu.memory_space<hbm>>
    %dma_start3A_34 = arith.constant 1536 : i32
    %dma_start3A_35 = tpu.memref_slice %arg8[%dma_start3A_34] : memref<4608xf32, #tpu.memory_space<vmem>> -> memref<512xf32, #tpu.memory_space<vmem>>
    %dma_start3A_36 = tpu.memref_slice %arg2[%dma_start3A_29, %mul3A_2] : memref<9x16384xf32, #tpu.memory_space<hbm>> -> memref<1x512xf32, #tpu.memory_space<hbm>>
    %dma_start3A_37 = tpu.memref_squeeze %dma_start3A_36 : memref<1x512xf32, #tpu.memory_space<hbm>> -> memref<512xf32, #tpu.memory_space<hbm>>
    tpu.enqueue_dma source(%dma_start3A_37 : memref<512xf32, #tpu.memory_space<hbm>>) target(%dma_start3A_35 : memref<512xf32, #tpu.memory_space<vmem>>) target_semaphore(%arg13 : memref<!tpu.dma_semaphore, #tpu.memory_space<semaphore_mem>>)
    %dma_start3A_38 = arith.constant 4 : i32
    %dma_start3A_39 = arith.constant 2048 : i32
    %dma_start3A_40 = tpu.memref_slice %arg8[%dma_start3A_39] : memref<4608xf32, #tpu.memory_space<vmem>> -> memref<512xf32, #tpu.memory_space<vmem>>
    %dma_start3A_41 = tpu.memref_slice %arg2[%dma_start3A_38, %mul3A_2] : memref<9x16384xf32, #tpu.memory_space<hbm>> -> memref<1x512xf32, #tpu.memory_space<hbm>>
    %dma_start3A_42 = tpu.memref_squeeze %dma_start3A_41 : memref<1x512xf32, #tpu.memory_space<hbm>> -> memref<512xf32, #tpu.memory_space<hbm>>
    %dma_start3A_43 = arith.constant 2048 : i32
    %dma_start3A_44 = tpu.memref_slice %arg8[%dma_start3A_43] : memref<4608xf32, #tpu.memory_space<vmem>> -> memref<512xf32, #tpu.memory_space<vmem>>
    %dma_start3A_45 = tpu.memref_slice %arg2[%dma_start3A_38, %mul3A_2] : memref<9x16384xf32, #tpu.memory_space<hbm>> -> memref<1x512xf32, #tpu.memory_space<hbm>>
    %dma_start3A_46 = tpu.memref_squeeze %dma_start3A_45 : memref<1x512xf32, #tpu.memory_space<hbm>> -> memref<512xf32, #tpu.memory_space<hbm>>
    tpu.enqueue_dma source(%dma_start3A_46 : memref<512xf32, #tpu.memory_space<hbm>>) target(%dma_start3A_44 : memref<512xf32, #tpu.memory_space<vmem>>) target_semaphore(%arg13 : memref<!tpu.dma_semaphore, #tpu.memory_space<semaphore_mem>>)
    %dma_start3A_47 = arith.constant 5 : i32
    %dma_start3A_48 = arith.constant 2560 : i32
    %dma_start3A_49 = tpu.memref_slice %arg8[%dma_start3A_48] : memref<4608xf32, #tpu.memory_space<vmem>> -> memref<512xf32, #tpu.memory_space<vmem>>
    %dma_start3A_50 = tpu.memref_slice %arg2[%dma_start3A_47, %mul3A_2] : memref<9x16384xf32, #tpu.memory_space<hbm>> -> memref<1x512xf32, #tpu.memory_space<hbm>>
    %dma_start3A_51 = tpu.memref_squeeze %dma_start3A_50 : memref<1x512xf32, #tpu.memory_space<hbm>> -> memref<512xf32, #tpu.memory_space<hbm>>
    %dma_start3A_52 = arith.constant 2560 : i32
    %dma_start3A_53 = tpu.memref_slice %arg8[%dma_start3A_52] : memref<4608xf32, #tpu.memory_space<vmem>> -> memref<512xf32, #tpu.memory_space<vmem>>
    %dma_start3A_54 = tpu.memref_slice %arg2[%dma_start3A_47, %mul3A_2] : memref<9x16384xf32, #tpu.memory_space<hbm>> -> memref<1x512xf32, #tpu.memory_space<hbm>>
    %dma_start3A_55 = tpu.memref_squeeze %dma_start3A_54 : memref<1x512xf32, #tpu.memory_space<hbm>> -> memref<512xf32, #tpu.memory_space<hbm>>
    tpu.enqueue_dma source(%dma_start3A_55 : memref<512xf32, #tpu.memory_space<hbm>>) target(%dma_start3A_53 : memref<512xf32, #tpu.memory_space<vmem>>) target_semaphore(%arg13 : memref<!tpu.dma_semaphore, #tpu.memory_space<semaphore_mem>>)
    %dma_start3A_56 = arith.constant 6 : i32
    %dma_start3A_57 = arith.constant 3072 : i32
    %dma_start3A_58 = tpu.memref_slice %arg8[%dma_start3A_57] : memref<4608xf32, #tpu.memory_space<vmem>> -> memref<512xf32, #tpu.memory_space<vmem>>
    %dma_start3A_59 = tpu.memref_slice %arg2[%dma_start3A_56, %mul3A_2] : memref<9x16384xf32, #tpu.memory_space<hbm>> -> memref<1x512xf32, #tpu.memory_space<hbm>>
    %dma_start3A_60 = tpu.memref_squeeze %dma_start3A_59 : memref<1x512xf32, #tpu.memory_space<hbm>> -> memref<512xf32, #tpu.memory_space<hbm>>
    %dma_start3A_61 = arith.constant 3072 : i32
    %dma_start3A_62 = tpu.memref_slice %arg8[%dma_start3A_61] : memref<4608xf32, #tpu.memory_space<vmem>> -> memref<512xf32, #tpu.memory_space<vmem>>
    %dma_start3A_63 = tpu.memref_slice %arg2[%dma_start3A_56, %mul3A_2] : memref<9x16384xf32, #tpu.memory_space<hbm>> -> memref<1x512xf32, #tpu.memory_space<hbm>>
    %dma_start3A_64 = tpu.memref_squeeze %dma_start3A_63 : memref<1x512xf32, #tpu.memory_space<hbm>> -> memref<512xf32, #tpu.memory_space<hbm>>
    tpu.enqueue_dma source(%dma_start3A_64 : memref<512xf32, #tpu.memory_space<hbm>>) target(%dma_start3A_62 : memref<512xf32, #tpu.memory_space<vmem>>) target_semaphore(%arg13 : memref<!tpu.dma_semaphore, #tpu.memory_space<semaphore_mem>>)
    %dma_start3A_65 = arith.constant 7 : i32
    %dma_start3A_66 = arith.constant 3584 : i32
    %dma_start3A_67 = tpu.memref_slice %arg8[%dma_start3A_66] : memref<4608xf32, #tpu.memory_space<vmem>> -> memref<512xf32, #tpu.memory_space<vmem>>
    %dma_start3A_68 = tpu.memref_slice %arg2[%dma_start3A_65, %mul3A_2] : memref<9x16384xf32, #tpu.memory_space<hbm>> -> memref<1x512xf32, #tpu.memory_space<hbm>>
    %dma_start3A_69 = tpu.memref_squeeze %dma_start3A_68 : memref<1x512xf32, #tpu.memory_space<hbm>> -> memref<512xf32, #tpu.memory_space<hbm>>
    %dma_start3A_70 = arith.constant 3584 : i32
    %dma_start3A_71 = tpu.memref_slice %arg8[%dma_start3A_70] : memref<4608xf32, #tpu.memory_space<vmem>> -> memref<512xf32, #tpu.memory_space<vmem>>
    %dma_start3A_72 = tpu.memref_slice %arg2[%dma_start3A_65, %mul3A_2] : memref<9x16384xf32, #tpu.memory_space<hbm>> -> memref<1x512xf32, #tpu.memory_space<hbm>>
    %dma_start3A_73 = tpu.memref_squeeze %dma_start3A_72 : memref<1x512xf32, #tpu.memory_space<hbm>> -> memref<512xf32, #tpu.memory_space<hbm>>
    tpu.enqueue_dma source(%dma_start3A_73 : memref<512xf32, #tpu.memory_space<hbm>>) target(%dma_start3A_71 : memref<512xf32, #tpu.memory_space<vmem>>) target_semaphore(%arg13 : memref<!tpu.dma_semaphore, #tpu.memory_space<semaphore_mem>>)
    %dma_start3A_74 = arith.constant 8 : i32
    %dma_start3A_75 = arith.constant 4096 : i32
    %dma_start3A_76 = tpu.memref_slice %arg8[%dma_start3A_75] : memref<4608xf32, #tpu.memory_space<vmem>> -> memref<512xf32, #tpu.memory_space<vmem>>
    %dma_start3A_77 = tpu.memref_slice %arg2[%dma_start3A_74, %mul3A_2] : memref<9x16384xf32, #tpu.memory_space<hbm>> -> memref<1x512xf32, #tpu.memory_space<hbm>>
    %dma_start3A_78 = tpu.memref_squeeze %dma_start3A_77 : memref<1x512xf32, #tpu.memory_space<hbm>> -> memref<512xf32, #tpu.memory_space<hbm>>
    %dma_start3A_79 = arith.constant 4096 : i32
    %dma_start3A_80 = tpu.memref_slice %arg8[%dma_start3A_79] : memref<4608xf32, #tpu.memory_space<vmem>> -> memref<512xf32, #tpu.memory_space<vmem>>
    %dma_start3A_81 = tpu.memref_slice %arg2[%dma_start3A_74, %mul3A_2] : memref<9x16384xf32, #tpu.memory_space<hbm>> -> memref<1x512xf32, #tpu.memory_space<hbm>>
    %dma_start3A_82 = tpu.memref_squeeze %dma_start3A_81 : memref<1x512xf32, #tpu.memory_space<hbm>> -> memref<512xf32, #tpu.memory_space<hbm>>
    tpu.enqueue_dma source(%dma_start3A_82 : memref<512xf32, #tpu.memory_space<hbm>>) target(%dma_start3A_80 : memref<512xf32, #tpu.memory_space<vmem>>) target_semaphore(%arg13 : memref<!tpu.dma_semaphore, #tpu.memory_space<semaphore_mem>>)
    tpu.enqueue_dma source(%arg3 : memref<31x2xf32, #tpu.memory_space<hbm>>) target(%arg9 : memref<31x2xf32, #tpu.memory_space<vmem>>) target_semaphore(%arg13 : memref<!tpu.dma_semaphore, #tpu.memory_space<semaphore_mem>>)
    tpu.enqueue_dma source(%arg4 : memref<31x2xf32, #tpu.memory_space<hbm>>) target(%arg10 : memref<31x2xf32, #tpu.memory_space<vmem>>) target_semaphore(%arg13 : memref<!tpu.dma_semaphore, #tpu.memory_space<semaphore_mem>>)
    %dma_start3A_83 = arith.constant 0 : i32
    %dma_start3A_84 = tpu.memref_slice %arg11[%dma_start3A_83] : memref<16xf32, #tpu.memory_space<vmem>> -> memref<2xf32, #tpu.memory_space<vmem>>
    %dma_start3A_85 = arith.constant 0 : i32
    %dma_start3A_86 = tpu.memref_slice %arg11[%dma_start3A_85] : memref<16xf32, #tpu.memory_space<vmem>> -> memref<2xf32, #tpu.memory_space<vmem>>
    tpu.enqueue_dma source(%arg5 : memref<2xf32, #tpu.memory_space<hbm>>) target(%dma_start3A_86 : memref<2xf32, #tpu.memory_space<vmem>>) target_semaphore(%arg13 : memref<!tpu.dma_semaphore, #tpu.memory_space<semaphore_mem>>)
    %dma_start3A_87 = arith.constant 8 : i32
    %dma_start3A_88 = tpu.memref_slice %arg11[%dma_start3A_87] : memref<16xf32, #tpu.memory_space<vmem>> -> memref<2xf32, #tpu.memory_space<vmem>>
    %dma_start3A_89 = arith.constant 8 : i32
    %dma_start3A_90 = tpu.memref_slice %arg11[%dma_start3A_89] : memref<16xf32, #tpu.memory_space<vmem>> -> memref<2xf32, #tpu.memory_space<vmem>>
    tpu.enqueue_dma source(%arg6 : memref<2xf32, #tpu.memory_space<hbm>>) target(%dma_start3A_90 : memref<2xf32, #tpu.memory_space<vmem>>) target_semaphore(%arg13 : memref<!tpu.dma_semaphore, #tpu.memory_space<semaphore_mem>>)
    %dma_wait3A = arith.constant 0 : i32
    %dma_wait3A_91 = arith.constant 0 : i32
    %dma_wait3A_92 = tpu.memref_slice %arg8[%dma_wait3A_91] : memref<4608xf32, #tpu.memory_space<vmem>> -> memref<512xf32, #tpu.memory_space<vmem>>
    %dma_wait3A_93 = tpu.memref_slice %arg2[%dma_wait3A, %mul3A_2] : memref<9x16384xf32, #tpu.memory_space<hbm>> -> memref<1x512xf32, #tpu.memory_space<hbm>>
    %dma_wait3A_94 = tpu.memref_squeeze %dma_wait3A_93 : memref<1x512xf32, #tpu.memory_space<hbm>> -> memref<512xf32, #tpu.memory_space<hbm>>
    %dma_wait3A_95 = arith.constant 0 : i32
    %dma_wait3A_96 = tpu.memref_slice %arg8[%dma_wait3A_95] : memref<4608xf32, #tpu.memory_space<vmem>> -> memref<512xf32, #tpu.memory_space<vmem>>
    %dma_wait3A_97 = tpu.memref_slice %arg2[%dma_wait3A, %mul3A_2] : memref<9x16384xf32, #tpu.memory_space<hbm>> -> memref<1x512xf32, #tpu.memory_space<hbm>>
    %dma_wait3A_98 = tpu.memref_squeeze %dma_wait3A_97 : memref<1x512xf32, #tpu.memory_space<hbm>> -> memref<512xf32, #tpu.memory_space<hbm>>
    tpu.wait_dma2 semaphore(%arg13 : memref<!tpu.dma_semaphore, #tpu.memory_space<semaphore_mem>>) src(%dma_wait3A_98 : memref<512xf32, #tpu.memory_space<hbm>>) dst(%dma_wait3A_96 : memref<512xf32, #tpu.memory_space<vmem>>)
    %dma_wait3A_99 = arith.constant 1 : i32
    %dma_wait3A_100 = arith.constant 512 : i32
    %dma_wait3A_101 = tpu.memref_slice %arg8[%dma_wait3A_100] : memref<4608xf32, #tpu.memory_space<vmem>> -> memref<512xf32, #tpu.memory_space<vmem>>
    %dma_wait3A_102 = tpu.memref_slice %arg2[%dma_wait3A_99, %mul3A_2] : memref<9x16384xf32, #tpu.memory_space<hbm>> -> memref<1x512xf32, #tpu.memory_space<hbm>>
    %dma_wait3A_103 = tpu.memref_squeeze %dma_wait3A_102 : memref<1x512xf32, #tpu.memory_space<hbm>> -> memref<512xf32, #tpu.memory_space<hbm>>
    %dma_wait3A_104 = arith.constant 512 : i32
    %dma_wait3A_105 = tpu.memref_slice %arg8[%dma_wait3A_104] : memref<4608xf32, #tpu.memory_space<vmem>> -> memref<512xf32, #tpu.memory_space<vmem>>
    %dma_wait3A_106 = tpu.memref_slice %arg2[%dma_wait3A_99, %mul3A_2] : memref<9x16384xf32, #tpu.memory_space<hbm>> -> memref<1x512xf32, #tpu.memory_space<hbm>>
    %dma_wait3A_107 = tpu.memref_squeeze %dma_wait3A_106 : memref<1x512xf32, #tpu.memory_space<hbm>> -> memref<512xf32, #tpu.memory_space<hbm>>
    tpu.wait_dma2 semaphore(%arg13 : memref<!tpu.dma_semaphore, #tpu.memory_space<semaphore_mem>>) src(%dma_wait3A_107 : memref<512xf32, #tpu.memory_space<hbm>>) dst(%dma_wait3A_105 : memref<512xf32, #tpu.memory_space<vmem>>)
    %dma_wait3A_108 = arith.constant 2 : i32
    %dma_wait3A_109 = arith.constant 1024 : i32
    %dma_wait3A_110 = tpu.memref_slice %arg8[%dma_wait3A_109] : memref<4608xf32, #tpu.memory_space<vmem>> -> memref<512xf32, #tpu.memory_space<vmem>>
    %dma_wait3A_111 = tpu.memref_slice %arg2[%dma_wait3A_108, %mul3A_2] : memref<9x16384xf32, #tpu.memory_space<hbm>> -> memref<1x512xf32, #tpu.memory_space<hbm>>
    %dma_wait3A_112 = tpu.memref_squeeze %dma_wait3A_111 : memref<1x512xf32, #tpu.memory_space<hbm>> -> memref<512xf32, #tpu.memory_space<hbm>>
    %dma_wait3A_113 = arith.constant 1024 : i32
    %dma_wait3A_114 = tpu.memref_slice %arg8[%dma_wait3A_113] : memref<4608xf32, #tpu.memory_space<vmem>> -> memref<512xf32, #tpu.memory_space<vmem>>
    %dma_wait3A_115 = tpu.memref_slice %arg2[%dma_wait3A_108, %mul3A_2] : memref<9x16384xf32, #tpu.memory_space<hbm>> -> memref<1x512xf32, #tpu.memory_space<hbm>>
    %dma_wait3A_116 = tpu.memref_squeeze %dma_wait3A_115 : memref<1x512xf32, #tpu.memory_space<hbm>> -> memref<512xf32, #tpu.memory_space<hbm>>
    tpu.wait_dma2 semaphore(%arg13 : memref<!tpu.dma_semaphore, #tpu.memory_space<semaphore_mem>>) src(%dma_wait3A_116 : memref<512xf32, #tpu.memory_space<hbm>>) dst(%dma_wait3A_114 : memref<512xf32, #tpu.memory_space<vmem>>)
    %dma_wait3A_117 = arith.constant 3 : i32
    %dma_wait3A_118 = arith.constant 1536 : i32
    %dma_wait3A_119 = tpu.memref_slice %arg8[%dma_wait3A_118] : memref<4608xf32, #tpu.memory_space<vmem>> -> memref<512xf32, #tpu.memory_space<vmem>>
    %dma_wait3A_120 = tpu.memref_slice %arg2[%dma_wait3A_117, %mul3A_2] : memref<9x16384xf32, #tpu.memory_space<hbm>> -> memref<1x512xf32, #tpu.memory_space<hbm>>
    %dma_wait3A_121 = tpu.memref_squeeze %dma_wait3A_120 : memref<1x512xf32, #tpu.memory_space<hbm>> -> memref<512xf32, #tpu.memory_space<hbm>>
    %dma_wait3A_122 = arith.constant 1536 : i32
    %dma_wait3A_123 = tpu.memref_slice %arg8[%dma_wait3A_122] : memref<4608xf32, #tpu.memory_space<vmem>> -> memref<512xf32, #tpu.memory_space<vmem>>
    %dma_wait3A_124 = tpu.memref_slice %arg2[%dma_wait3A_117, %mul3A_2] : memref<9x16384xf32, #tpu.memory_space<hbm>> -> memref<1x512xf32, #tpu.memory_space<hbm>>
    %dma_wait3A_125 = tpu.memref_squeeze %dma_wait3A_124 : memref<1x512xf32, #tpu.memory_space<hbm>> -> memref<512xf32, #tpu.memory_space<hbm>>
    tpu.wait_dma2 semaphore(%arg13 : memref<!tpu.dma_semaphore, #tpu.memory_space<semaphore_mem>>) src(%dma_wait3A_125 : memref<512xf32, #tpu.memory_space<hbm>>) dst(%dma_wait3A_123 : memref<512xf32, #tpu.memory_space<vmem>>)
    %dma_wait3A_126 = arith.constant 4 : i32
    %dma_wait3A_127 = arith.constant 2048 : i32
    %dma_wait3A_128 = tpu.memref_slice %arg8[%dma_wait3A_127] : memref<4608xf32, #tpu.memory_space<vmem>> -> memref<512xf32, #tpu.memory_space<vmem>>
    %dma_wait3A_129 = tpu.memref_slice %arg2[%dma_wait3A_126, %mul3A_2] : memref<9x16384xf32, #tpu.memory_space<hbm>> -> memref<1x512xf32, #tpu.memory_space<hbm>>
    %dma_wait3A_130 = tpu.memref_squeeze %dma_wait3A_129 : memref<1x512xf32, #tpu.memory_space<hbm>> -> memref<512xf32, #tpu.memory_space<hbm>>
    %dma_wait3A_131 = arith.constant 2048 : i32
    %dma_wait3A_132 = tpu.memref_slice %arg8[%dma_wait3A_131] : memref<4608xf32, #tpu.memory_space<vmem>> -> memref<512xf32, #tpu.memory_space<vmem>>
    %dma_wait3A_133 = tpu.memref_slice %arg2[%dma_wait3A_126, %mul3A_2] : memref<9x16384xf32, #tpu.memory_space<hbm>> -> memref<1x512xf32, #tpu.memory_space<hbm>>
    %dma_wait3A_134 = tpu.memref_squeeze %dma_wait3A_133 : memref<1x512xf32, #tpu.memory_space<hbm>> -> memref<512xf32, #tpu.memory_space<hbm>>
    tpu.wait_dma2 semaphore(%arg13 : memref<!tpu.dma_semaphore, #tpu.memory_space<semaphore_mem>>) src(%dma_wait3A_134 : memref<512xf32, #tpu.memory_space<hbm>>) dst(%dma_wait3A_132 : memref<512xf32, #tpu.memory_space<vmem>>)
    %dma_wait3A_135 = arith.constant 5 : i32
    %dma_wait3A_136 = arith.constant 2560 : i32
    %dma_wait3A_137 = tpu.memref_slice %arg8[%dma_wait3A_136] : memref<4608xf32, #tpu.memory_space<vmem>> -> memref<512xf32, #tpu.memory_space<vmem>>
    %dma_wait3A_138 = tpu.memref_slice %arg2[%dma_wait3A_135, %mul3A_2] : memref<9x16384xf32, #tpu.memory_space<hbm>> -> memref<1x512xf32, #tpu.memory_space<hbm>>
    %dma_wait3A_139 = tpu.memref_squeeze %dma_wait3A_138 : memref<1x512xf32, #tpu.memory_space<hbm>> -> memref<512xf32, #tpu.memory_space<hbm>>
    %dma_wait3A_140 = arith.constant 2560 : i32
    %dma_wait3A_141 = tpu.memref_slice %arg8[%dma_wait3A_140] : memref<4608xf32, #tpu.memory_space<vmem>> -> memref<512xf32, #tpu.memory_space<vmem>>
    %dma_wait3A_142 = tpu.memref_slice %arg2[%dma_wait3A_135, %mul3A_2] : memref<9x16384xf32, #tpu.memory_space<hbm>> -> memref<1x512xf32, #tpu.memory_space<hbm>>
    %dma_wait3A_143 = tpu.memref_squeeze %dma_wait3A_142 : memref<1x512xf32, #tpu.memory_space<hbm>> -> memref<512xf32, #tpu.memory_space<hbm>>
    tpu.wait_dma2 semaphore(%arg13 : memref<!tpu.dma_semaphore, #tpu.memory_space<semaphore_mem>>) src(%dma_wait3A_143 : memref<512xf32, #tpu.memory_space<hbm>>) dst(%dma_wait3A_141 : memref<512xf32, #tpu.memory_space<vmem>>)
    %dma_wait3A_144 = arith.constant 6 : i32
    %dma_wait3A_145 = arith.constant 3072 : i32
    %dma_wait3A_146 = tpu.memref_slice %arg8[%dma_wait3A_145] : memref<4608xf32, #tpu.memory_space<vmem>> -> memref<512xf32, #tpu.memory_space<vmem>>
    %dma_wait3A_147 = tpu.memref_slice %arg2[%dma_wait3A_144, %mul3A_2] : memref<9x16384xf32, #tpu.memory_space<hbm>> -> memref<1x512xf32, #tpu.memory_space<hbm>>
    %dma_wait3A_148 = tpu.memref_squeeze %dma_wait3A_147 : memref<1x512xf32, #tpu.memory_space<hbm>> -> memref<512xf32, #tpu.memory_space<hbm>>
    %dma_wait3A_149 = arith.constant 3072 : i32
    %dma_wait3A_150 = tpu.memref_slice %arg8[%dma_wait3A_149] : memref<4608xf32, #tpu.memory_space<vmem>> -> memref<512xf32, #tpu.memory_space<vmem>>
    %dma_wait3A_151 = tpu.memref_slice %arg2[%dma_wait3A_144, %mul3A_2] : memref<9x16384xf32, #tpu.memory_space<hbm>> -> memref<1x512xf32, #tpu.memory_space<hbm>>
    %dma_wait3A_152 = tpu.memref_squeeze %dma_wait3A_151 : memref<1x512xf32, #tpu.memory_space<hbm>> -> memref<512xf32, #tpu.memory_space<hbm>>
    tpu.wait_dma2 semaphore(%arg13 : memref<!tpu.dma_semaphore, #tpu.memory_space<semaphore_mem>>) src(%dma_wait3A_152 : memref<512xf32, #tpu.memory_space<hbm>>) dst(%dma_wait3A_150 : memref<512xf32, #tpu.memory_space<vmem>>)
    %dma_wait3A_153 = arith.constant 7 : i32
    %dma_wait3A_154 = arith.constant 3584 : i32
    %dma_wait3A_155 = tpu.memref_slice %arg8[%dma_wait3A_154] : memref<4608xf32, #tpu.memory_space<vmem>> -> memref<512xf32, #tpu.memory_space<vmem>>
    %dma_wait3A_156 = tpu.memref_slice %arg2[%dma_wait3A_153, %mul3A_2] : memref<9x16384xf32, #tpu.memory_space<hbm>> -> memref<1x512xf32, #tpu.memory_space<hbm>>
    %dma_wait3A_157 = tpu.memref_squeeze %dma_wait3A_156 : memref<1x512xf32, #tpu.memory_space<hbm>> -> memref<512xf32, #tpu.memory_space<hbm>>
    %dma_wait3A_158 = arith.constant 3584 : i32
    %dma_wait3A_159 = tpu.memref_slice %arg8[%dma_wait3A_158] : memref<4608xf32, #tpu.memory_space<vmem>> -> memref<512xf32, #tpu.memory_space<vmem>>
    %dma_wait3A_160 = tpu.memref_slice %arg2[%dma_wait3A_153, %mul3A_2] : memref<9x16384xf32, #tpu.memory_space<hbm>> -> memref<1x512xf32, #tpu.memory_space<hbm>>
    %dma_wait3A_161 = tpu.memref_squeeze %dma_wait3A_160 : memref<1x512xf32, #tpu.memory_space<hbm>> -> memref<512xf32, #tpu.memory_space<hbm>>
    tpu.wait_dma2 semaphore(%arg13 : memref<!tpu.dma_semaphore, #tpu.memory_space<semaphore_mem>>) src(%dma_wait3A_161 : memref<512xf32, #tpu.memory_space<hbm>>) dst(%dma_wait3A_159 : memref<512xf32, #tpu.memory_space<vmem>>)
    %dma_wait3A_162 = arith.constant 8 : i32
    %dma_wait3A_163 = arith.constant 4096 : i32
    %dma_wait3A_164 = tpu.memref_slice %arg8[%dma_wait3A_163] : memref<4608xf32, #tpu.memory_space<vmem>> -> memref<512xf32, #tpu.memory_space<vmem>>
    %dma_wait3A_165 = tpu.memref_slice %arg2[%dma_wait3A_162, %mul3A_2] : memref<9x16384xf32, #tpu.memory_space<hbm>> -> memref<1x512xf32, #tpu.memory_space<hbm>>
    %dma_wait3A_166 = tpu.memref_squeeze %dma_wait3A_165 : memref<1x512xf32, #tpu.memory_space<hbm>> -> memref<512xf32, #tpu.memory_space<hbm>>
    %dma_wait3A_167 = arith.constant 4096 : i32
    %dma_wait3A_168 = tpu.memref_slice %arg8[%dma_wait3A_167] : memref<4608xf32, #tpu.memory_space<vmem>> -> memref<512xf32, #tpu.memory_space<vmem>>
    %dma_wait3A_169 = tpu.memref_slice %arg2[%dma_wait3A_162, %mul3A_2] : memref<9x16384xf32, #tpu.memory_space<hbm>> -> memref<1x512xf32, #tpu.memory_space<hbm>>
    %dma_wait3A_170 = tpu.memref_squeeze %dma_wait3A_169 : memref<1x512xf32, #tpu.memory_space<hbm>> -> memref<512xf32, #tpu.memory_space<hbm>>
    tpu.wait_dma2 semaphore(%arg13 : memref<!tpu.dma_semaphore, #tpu.memory_space<semaphore_mem>>) src(%dma_wait3A_170 : memref<512xf32, #tpu.memory_space<hbm>>) dst(%dma_wait3A_168 : memref<512xf32, #tpu.memory_space<vmem>>)
    tpu.wait_dma2 semaphore(%arg13 : memref<!tpu.dma_semaphore, #tpu.memory_space<semaphore_mem>>) src(%arg3 : memref<31x2xf32, #tpu.memory_space<hbm>>) dst(%arg9 : memref<31x2xf32, #tpu.memory_space<vmem>>)
    tpu.wait_dma2 semaphore(%arg13 : memref<!tpu.dma_semaphore, #tpu.memory_space<semaphore_mem>>) src(%arg4 : memref<31x2xf32, #tpu.memory_space<hbm>>) dst(%arg10 : memref<31x2xf32, #tpu.memory_space<vmem>>)
    %dma_wait3A_171 = arith.constant 0 : i32
    %dma_wait3A_172 = tpu.memref_slice %arg11[%dma_wait3A_171] : memref<16xf32, #tpu.memory_space<vmem>> -> memref<2xf32, #tpu.memory_space<vmem>>
    %dma_wait3A_173 = arith.constant 0 : i32
    %dma_wait3A_174 = tpu.memref_slice %arg11[%dma_wait3A_173] : memref<16xf32, #tpu.memory_space<vmem>> -> memref<2xf32, #tpu.memory_space<vmem>>
    tpu.wait_dma2 semaphore(%arg13 : memref<!tpu.dma_semaphore, #tpu.memory_space<semaphore_mem>>) src(%arg5 : memref<2xf32, #tpu.memory_space<hbm>>) dst(%dma_wait3A_174 : memref<2xf32, #tpu.memory_space<vmem>>)
    %dma_wait3A_175 = arith.constant 8 : i32
    %dma_wait3A_176 = tpu.memref_slice %arg11[%dma_wait3A_175] : memref<16xf32, #tpu.memory_space<vmem>> -> memref<2xf32, #tpu.memory_space<vmem>>
    %dma_wait3A_177 = arith.constant 8 : i32
    %dma_wait3A_178 = tpu.memref_slice %arg11[%dma_wait3A_177] : memref<16xf32, #tpu.memory_space<vmem>> -> memref<2xf32, #tpu.memory_space<vmem>>
    tpu.wait_dma2 semaphore(%arg13 : memref<!tpu.dma_semaphore, #tpu.memory_space<semaphore_mem>>) src(%arg6 : memref<2xf32, #tpu.memory_space<hbm>>) dst(%dma_wait3A_178 : memref<2xf32, #tpu.memory_space<vmem>>)
    %broadcast_in_dim3A = arith.constant 0 : i32
    %broadcast_in_dim3A_179 = vector.broadcast %broadcast_in_dim3A : i32 to vector<16xi32>
    %broadcast_in_dim3A_180 = arith.constant 1 : i32
    %broadcast_in_dim3A_181 = vector.broadcast %broadcast_in_dim3A_180 : i32 to vector<16xi32>
    %get3A = arith.constant 0 : index
    %get3A_182 = tpu.vector_load %arg11[%get3A] {strides = array<i32>} : memref<16xf32, #tpu.memory_space<vmem>>, vector<16xf32>,
    %iota3A = tpu.iota {dimensions = array<i32: 0>} : vector<16xi32>
    %eq3A = arith.constant 0 : i32
    %eq3A_183 = vector.broadcast %eq3A : i32 to vector<16xi32>
    %eq3A_184 = arith.cmpi eq, %iota3A, %eq3A_183 : vector<16xi32>
    %jit3A = arith.constant 0.000000e+00 : f32
    %broadcast_in_dim3A_185 = vector.broadcast %jit3A : f32 to vector<16xf32>
    %select_n3A = arith.select %eq3A_184, %get3A_182, %broadcast_in_dim3A_185 : vector<16xi1>, vector<16xf32>
    %reduce_sum3A = arith.constant true
    %reduce_sum3A_186 = vector.broadcast %reduce_sum3A : i1 to vector<16xi1>
    %reduce_sum3A_187 = tpu.scan <sum>, %select_n3A masked %reduce_sum3A_186 : vector<16xf32>, vector<16xi1> -> vector<16xf32>
    %reduce_sum3A_188 = vector.extract %reduce_sum3A_187[15] : f32 from vector<16xf32>
    %broadcast_in_dim3A_189 = vector.broadcast %reduce_sum3A_188 : f32 to vector<16xf32>
    %mul3A_190 = arith.constant 1.000000e+02 : f32
    %mul3A_191 = vector.broadcast %mul3A_190 : f32 to vector<16xf32>
    %mul3A_192 = arith.mulf %broadcast_in_dim3A_189, %mul3A_191 : vector<16xf32>
    %iota3A_193 = tpu.iota {dimensions = array<i32: 0>} : vector<16xi32>
    %eq3A_194 = arith.constant 1 : i32
    %eq3A_195 = vector.broadcast %eq3A_194 : i32 to vector<16xi32>
    %eq3A_196 = arith.cmpi eq, %iota3A_193, %eq3A_195 : vector<16xi32>
    %jit3A_197 = arith.constant 0.000000e+00 : f32
    %broadcast_in_dim3A_198 = vector.broadcast %jit3A_197 : f32 to vector<16xf32>
    %select_n3A_199 = arith.select %eq3A_196, %get3A_182, %broadcast_in_dim3A_198 : vector<16xi1>, vector<16xf32>
    %reduce_sum3A_200 = arith.constant true
    %reduce_sum3A_201 = vector.broadcast %reduce_sum3A_200 : i1 to vector<16xi1>
    %reduce_sum3A_202 = tpu.scan <sum>, %select_n3A_199 masked %reduce_sum3A_201 : vector<16xf32>, vector<16xi1> -> vector<16xf32>
    %reduce_sum3A_203 = vector.extract %reduce_sum3A_202[15] : f32 from vector<16xf32>
    %broadcast_in_dim3A_204 = vector.broadcast %reduce_sum3A_203 : f32 to vector<16xf32>
    %mul3A_205 = arith.constant 1.000000e+02 : f32
    %mul3A_206 = vector.broadcast %mul3A_205 : f32 to vector<16xf32>
    %mul3A_207 = arith.mulf %broadcast_in_dim3A_204, %mul3A_206 : vector<16xf32>
    %iota3A_208 = tpu.iota {dimensions = array<i32: 0>} : vector<16xi32>
    %eq3A_209 = arith.constant 8 : i32
    %eq3A_210 = vector.broadcast %eq3A_209 : i32 to vector<16xi32>
    %eq3A_211 = arith.cmpi eq, %iota3A_208, %eq3A_210 : vector<16xi32>
    %jit3A_212 = arith.constant 0.000000e+00 : f32
    %broadcast_in_dim3A_213 = vector.broadcast %jit3A_212 : f32 to vector<16xf32>
    %select_n3A_214 = arith.select %eq3A_211, %get3A_182, %broadcast_in_dim3A_213 : vector<16xi1>, vector<16xf32>
    %reduce_sum3A_215 = arith.constant true
    %reduce_sum3A_216 = vector.broadcast %reduce_sum3A_215 : i1 to vector<16xi1>
    %reduce_sum3A_217 = tpu.scan <sum>, %select_n3A_214 masked %reduce_sum3A_216 : vector<16xf32>, vector<16xi1> -> vector<16xf32>
    %reduce_sum3A_218 = vector.extract %reduce_sum3A_217[15] : f32 from vector<16xf32>
    %broadcast_in_dim3A_219 = vector.broadcast %reduce_sum3A_218 : f32 to vector<16xf32>
    %mul3A_220 = arith.constant 1.000000e+02 : f32
    %mul3A_221 = vector.broadcast %mul3A_220 : f32 to vector<16xf32>
    %mul3A_222 = arith.mulf %broadcast_in_dim3A_219, %mul3A_221 : vector<16xf32>
    %iota3A_223 = tpu.iota {dimensions = array<i32: 0>} : vector<16xi32>
    %eq3A_224 = arith.constant 9 : i32
    %eq3A_225 = vector.broadcast %eq3A_224 : i32 to vector<16xi32>
    %eq3A_226 = arith.cmpi eq, %iota3A_223, %eq3A_225 : vector<16xi32>
    %jit3A_227 = arith.constant 0.000000e+00 : f32
    %broadcast_in_dim3A_228 = vector.broadcast %jit3A_227 : f32 to vector<16xf32>
    %select_n3A_229 = arith.select %eq3A_226, %get3A_182, %broadcast_in_dim3A_228 : vector<16xi1>, vector<16xf32>
    %reduce_sum3A_230 = arith.constant true
    %reduce_sum3A_231 = vector.broadcast %reduce_sum3A_230 : i1 to vector<16xi1>
    %reduce_sum3A_232 = tpu.scan <sum>, %select_n3A_229 masked %reduce_sum3A_231 : vector<16xf32>, vector<16xi1> -> vector<16xf32>
    %reduce_sum3A_233 = vector.extract %reduce_sum3A_232[15] : f32 from vector<16xf32>
    %broadcast_in_dim3A_234 = vector.broadcast %reduce_sum3A_233 : f32 to vector<16xf32>
    %mul3A_235 = arith.constant 1.000000e+02 : f32
    %mul3A_236 = vector.broadcast %mul3A_235 : f32 to vector<16xf32>
    %mul3A_237 = arith.mulf %broadcast_in_dim3A_234, %mul3A_236 : vector<16xf32>
    %parallel_loop3A = arith.constant 0 : i32
    %parallel_loop3A_238 = arith.constant 32 : i32
    %parallel_loop3A_239 = arith.constant 1 : i32
    scf.for %parallel_loop3A_312 = %parallel_loop3A to %parallel_loop3A_238 step %parallel_loop3A_239  : i32 {
      %parallel_loop3A_313 = arith.constant 16 : i32
      %parallel_loop3A_314 = arith.muli %parallel_loop3A_312, %parallel_loop3A_313 : i32
      %parallel_loop3A_315 = arith.constant 0 : i32
      %parallel_loop3A_316 = arith.addi %parallel_loop3A_315, %parallel_loop3A_314 : i32
      %parallel_loop3A_317 = arith.index_cast %parallel_loop3A_316 : i32 to index
      %parallel_loop3A_318 = tpu.vector_load %arg8[%parallel_loop3A_317] {strides = array<i32>} : memref<4608xf32, #tpu.memory_space<vmem>>, vector<16xf32>,
      %parallel_loop3A_319 = arith.fptosi %parallel_loop3A_318 : vector<16xf32> to vector<16xi32>
      %parallel_loop3A_320 = arith.constant 512 : i32
      %parallel_loop3A_321 = arith.addi %parallel_loop3A_320, %parallel_loop3A_314 : i32
      %parallel_loop3A_322 = arith.index_cast %parallel_loop3A_321 : i32 to index
      %parallel_loop3A_323 = tpu.vector_load %arg8[%parallel_loop3A_322] {strides = array<i32>} : memref<4608xf32, #tpu.memory_space<vmem>>, vector<16xf32>,
      %parallel_loop3A_324 = arith.fptosi %parallel_loop3A_323 : vector<16xf32> to vector<16xi32>
      %parallel_loop3A_325 = arith.constant 1024 : i32
      %parallel_loop3A_326 = arith.addi %parallel_loop3A_325, %parallel_loop3A_314 : i32
      %parallel_loop3A_327 = arith.index_cast %parallel_loop3A_326 : i32 to index
      %parallel_loop3A_328 = tpu.vector_load %arg8[%parallel_loop3A_327] {strides = array<i32>} : memref<4608xf32, #tpu.memory_space<vmem>>, vector<16xf32>,
      %parallel_loop3A_329 = arith.fptosi %parallel_loop3A_328 : vector<16xf32> to vector<16xi32>
      %parallel_loop3A_330 = arith.constant 1536 : i32
      %parallel_loop3A_331 = arith.addi %parallel_loop3A_330, %parallel_loop3A_314 : i32
      %parallel_loop3A_332 = arith.index_cast %parallel_loop3A_331 : i32 to index
      %parallel_loop3A_333 = tpu.vector_load %arg8[%parallel_loop3A_332] {strides = array<i32>} : memref<4608xf32, #tpu.memory_space<vmem>>, vector<16xf32>,
      %parallel_loop3A_334 = arith.fptosi %parallel_loop3A_333 : vector<16xf32> to vector<16xi32>
      %parallel_loop3A_335 = arith.constant 2048 : i32
      %parallel_loop3A_336 = arith.addi %parallel_loop3A_335, %parallel_loop3A_314 : i32
      %parallel_loop3A_337 = arith.index_cast %parallel_loop3A_336 : i32 to index
      %parallel_loop3A_338 = tpu.vector_load %arg8[%parallel_loop3A_337] {strides = array<i32>} : memref<4608xf32, #tpu.memory_space<vmem>>, vector<16xf32>,
      %parallel_loop3A_339 = arith.fptosi %parallel_loop3A_338 : vector<16xf32> to vector<16xi32>
      %parallel_loop3A_340 = arith.constant 2560 : i32
      %parallel_loop3A_341 = arith.addi %parallel_loop3A_340, %parallel_loop3A_314 : i32
      %parallel_loop3A_342 = arith.index_cast %parallel_loop3A_341 : i32 to index
      %parallel_loop3A_343 = tpu.vector_load %arg8[%parallel_loop3A_342] {strides = array<i32>} : memref<4608xf32, #tpu.memory_space<vmem>>, vector<16xf32>,
      %parallel_loop3A_344 = arith.constant 3072 : i32
      %parallel_loop3A_345 = arith.addi %parallel_loop3A_344, %parallel_loop3A_314 : i32
      %parallel_loop3A_346 = arith.index_cast %parallel_loop3A_345 : i32 to index
      %parallel_loop3A_347 = tpu.vector_load %arg8[%parallel_loop3A_346] {strides = array<i32>} : memref<4608xf32, #tpu.memory_space<vmem>>, vector<16xf32>,
      %parallel_loop3A_348 = arith.constant 3584 : i32
      %parallel_loop3A_349 = arith.addi %parallel_loop3A_348, %parallel_loop3A_314 : i32
      %parallel_loop3A_350 = arith.index_cast %parallel_loop3A_349 : i32 to index
      %parallel_loop3A_351 = tpu.vector_load %arg8[%parallel_loop3A_350] {strides = array<i32>} : memref<4608xf32, #tpu.memory_space<vmem>>, vector<16xf32>,
      %parallel_loop3A_352 = arith.constant 4096 : i32
      %parallel_loop3A_353 = arith.addi %parallel_loop3A_352, %parallel_loop3A_314 : i32
      %parallel_loop3A_354 = arith.index_cast %parallel_loop3A_353 : i32 to index
      %parallel_loop3A_355 = tpu.vector_load %arg8[%parallel_loop3A_354] {strides = array<i32>} : memref<4608xf32, #tpu.memory_space<vmem>>, vector<16xf32>,
      %parallel_loop3A_356 = tpu.vector_load_idx %arg9[%parallel_loop3A_319, %broadcast_in_dim3A_179] : memref<31x2xf32, #tpu.memory_space<vmem>>[vector<16xi32>, vector<16xi32>], vector<16xf32>,
      %parallel_loop3A_357 = tpu.vector_load_idx %arg9[%parallel_loop3A_319, %broadcast_in_dim3A_181] : memref<31x2xf32, #tpu.memory_space<vmem>>[vector<16xi32>, vector<16xi32>], vector<16xf32>,
      %parallel_loop3A_358 = tpu.vector_load_idx %arg10[%parallel_loop3A_319, %broadcast_in_dim3A_179] : memref<31x2xf32, #tpu.memory_space<vmem>>[vector<16xi32>, vector<16xi32>], vector<16xf32>,
      %parallel_loop3A_359 = tpu.vector_load_idx %arg10[%parallel_loop3A_319, %broadcast_in_dim3A_181] : memref<31x2xf32, #tpu.memory_space<vmem>>[vector<16xi32>, vector<16xi32>], vector<16xf32>,
      %parallel_loop3A_360 = arith.mulf %parallel_loop3A_343, %parallel_loop3A_356 : vector<16xf32>
      %parallel_loop3A_361 = arith.mulf %parallel_loop3A_347, %parallel_loop3A_358 : vector<16xf32>
      %parallel_loop3A_362 = arith.addf %parallel_loop3A_360, %parallel_loop3A_361 : vector<16xf32>
      %parallel_loop3A_363 = arith.mulf %parallel_loop3A_343, %parallel_loop3A_357 : vector<16xf32>
      %parallel_loop3A_364 = arith.mulf %parallel_loop3A_347, %parallel_loop3A_359 : vector<16xf32>
      %parallel_loop3A_365 = arith.addf %parallel_loop3A_363, %parallel_loop3A_364 : vector<16xf32>
      %parallel_loop3A_366 = tpu.vector_load_idx %arg9[%parallel_loop3A_324, %broadcast_in_dim3A_179] : memref<31x2xf32, #tpu.memory_space<vmem>>[vector<16xi32>, vector<16xi32>], vector<16xf32>,
      %parallel_loop3A_367 = tpu.vector_load_idx %arg9[%parallel_loop3A_324, %broadcast_in_dim3A_181] : memref<31x2xf32, #tpu.memory_space<vmem>>[vector<16xi32>, vector<16xi32>], vector<16xf32>,
      %parallel_loop3A_368 = tpu.vector_load_idx %arg10[%parallel_loop3A_324, %broadcast_in_dim3A_179] : memref<31x2xf32, #tpu.memory_space<vmem>>[vector<16xi32>, vector<16xi32>], vector<16xf32>,
      %parallel_loop3A_369 = tpu.vector_load_idx %arg10[%parallel_loop3A_324, %broadcast_in_dim3A_181] : memref<31x2xf32, #tpu.memory_space<vmem>>[vector<16xi32>, vector<16xi32>], vector<16xf32>,
      %parallel_loop3A_370 = arith.mulf %parallel_loop3A_343, %parallel_loop3A_366 : vector<16xf32>
      %parallel_loop3A_371 = arith.mulf %parallel_loop3A_347, %parallel_loop3A_368 : vector<16xf32>
      %parallel_loop3A_372 = arith.addf %parallel_loop3A_370, %parallel_loop3A_371 : vector<16xf32>
      %parallel_loop3A_373 = arith.mulf %parallel_loop3A_343, %parallel_loop3A_367 : vector<16xf32>
      %parallel_loop3A_374 = arith.mulf %parallel_loop3A_347, %parallel_loop3A_369 : vector<16xf32>
      %parallel_loop3A_375 = arith.addf %parallel_loop3A_373, %parallel_loop3A_374 : vector<16xf32>
      %parallel_loop3A_376 = tpu.vector_load_idx %arg9[%parallel_loop3A_329, %broadcast_in_dim3A_179] : memref<31x2xf32, #tpu.memory_space<vmem>>[vector<16xi32>, vector<16xi32>], vector<16xf32>,
      %parallel_loop3A_377 = tpu.vector_load_idx %arg9[%parallel_loop3A_329, %broadcast_in_dim3A_181] : memref<31x2xf32, #tpu.memory_space<vmem>>[vector<16xi32>, vector<16xi32>], vector<16xf32>,
      %parallel_loop3A_378 = tpu.vector_load_idx %arg10[%parallel_loop3A_329, %broadcast_in_dim3A_179] : memref<31x2xf32, #tpu.memory_space<vmem>>[vector<16xi32>, vector<16xi32>], vector<16xf32>,
      %parallel_loop3A_379 = tpu.vector_load_idx %arg10[%parallel_loop3A_329, %broadcast_in_dim3A_181] : memref<31x2xf32, #tpu.memory_space<vmem>>[vector<16xi32>, vector<16xi32>], vector<16xf32>,
      %parallel_loop3A_380 = arith.mulf %parallel_loop3A_343, %parallel_loop3A_376 : vector<16xf32>
      %parallel_loop3A_381 = arith.mulf %parallel_loop3A_347, %parallel_loop3A_378 : vector<16xf32>
      %parallel_loop3A_382 = arith.addf %parallel_loop3A_380, %parallel_loop3A_381 : vector<16xf32>
      %parallel_loop3A_383 = arith.mulf %parallel_loop3A_343, %parallel_loop3A_377 : vector<16xf32>
      %parallel_loop3A_384 = arith.mulf %parallel_loop3A_347, %parallel_loop3A_379 : vector<16xf32>
      %parallel_loop3A_385 = arith.addf %parallel_loop3A_383, %parallel_loop3A_384 : vector<16xf32>
      %parallel_loop3A_386 = tpu.vector_load_idx %arg9[%parallel_loop3A_334, %broadcast_in_dim3A_179] : memref<31x2xf32, #tpu.memory_space<vmem>>[vector<16xi32>, vector<16xi32>], vector<16xf32>,
      %parallel_loop3A_387 = tpu.vector_load_idx %arg9[%parallel_loop3A_334, %broadcast_in_dim3A_181] : memref<31x2xf32, #tpu.memory_space<vmem>>[vector<16xi32>, vector<16xi32>], vector<16xf32>,
      %parallel_loop3A_388 = tpu.vector_load_idx %arg10[%parallel_loop3A_334, %broadcast_in_dim3A_179] : memref<31x2xf32, #tpu.memory_space<vmem>>[vector<16xi32>, vector<16xi32>], vector<16xf32>,
      %parallel_loop3A_389 = tpu.vector_load_idx %arg10[%parallel_loop3A_334, %broadcast_in_dim3A_181] : memref<31x2xf32, #tpu.memory_space<vmem>>[vector<16xi32>, vector<16xi32>], vector<16xf32>,
      %parallel_loop3A_390 = arith.mulf %parallel_loop3A_343, %parallel_loop3A_386 : vector<16xf32>
      %parallel_loop3A_391 = arith.mulf %parallel_loop3A_347, %parallel_loop3A_388 : vector<16xf32>
      %parallel_loop3A_392 = arith.addf %parallel_loop3A_390, %parallel_loop3A_391 : vector<16xf32>
      %parallel_loop3A_393 = arith.mulf %parallel_loop3A_343, %parallel_loop3A_387 : vector<16xf32>
      %parallel_loop3A_394 = arith.mulf %parallel_loop3A_347, %parallel_loop3A_389 : vector<16xf32>
      %parallel_loop3A_395 = arith.addf %parallel_loop3A_393, %parallel_loop3A_394 : vector<16xf32>
      %parallel_loop3A_396 = tpu.vector_load_idx %arg9[%parallel_loop3A_339, %broadcast_in_dim3A_179] : memref<31x2xf32, #tpu.memory_space<vmem>>[vector<16xi32>, vector<16xi32>], vector<16xf32>,
      %parallel_loop3A_397 = tpu.vector_load_idx %arg9[%parallel_loop3A_339, %broadcast_in_dim3A_181] : memref<31x2xf32, #tpu.memory_space<vmem>>[vector<16xi32>, vector<16xi32>], vector<16xf32>,
      %parallel_loop3A_398 = tpu.vector_load_idx %arg10[%parallel_loop3A_339, %broadcast_in_dim3A_179] : memref<31x2xf32, #tpu.memory_space<vmem>>[vector<16xi32>, vector<16xi32>], vector<16xf32>,
      %parallel_loop3A_399 = tpu.vector_load_idx %arg10[%parallel_loop3A_339, %broadcast_in_dim3A_181] : memref<31x2xf32, #tpu.memory_space<vmem>>[vector<16xi32>, vector<16xi32>], vector<16xf32>,
      %parallel_loop3A_400 = arith.mulf %parallel_loop3A_343, %parallel_loop3A_396 : vector<16xf32>
      %parallel_loop3A_401 = arith.mulf %parallel_loop3A_347, %parallel_loop3A_398 : vector<16xf32>
      %parallel_loop3A_402 = arith.addf %parallel_loop3A_400, %parallel_loop3A_401 : vector<16xf32>
      %parallel_loop3A_403 = arith.mulf %parallel_loop3A_343, %parallel_loop3A_397 : vector<16xf32>
      %parallel_loop3A_404 = arith.mulf %parallel_loop3A_347, %parallel_loop3A_399 : vector<16xf32>
      %parallel_loop3A_405 = arith.addf %parallel_loop3A_403, %parallel_loop3A_404 : vector<16xf32>
      %parallel_loop3A_406 = arith.subf %parallel_loop3A_362, %parallel_loop3A_372 : vector<16xf32>
      %parallel_loop3A_407 = arith.subf %parallel_loop3A_365, %parallel_loop3A_375 : vector<16xf32>
      %parallel_loop3A_408 = arith.mulf %parallel_loop3A_406, %parallel_loop3A_406 : vector<16xf32>
      %parallel_loop3A_409 = arith.mulf %parallel_loop3A_407, %parallel_loop3A_407 : vector<16xf32>
      %parallel_loop3A_410 = arith.mulf %mul3A_192, %parallel_loop3A_408 : vector<16xf32>
      %parallel_loop3A_411 = arith.mulf %mul3A_207, %parallel_loop3A_409 : vector<16xf32>
      %parallel_loop3A_412 = arith.addf %parallel_loop3A_410, %parallel_loop3A_411 : vector<16xf32>
      %parallel_loop3A_413 = arith.constant 1.000000e-30 : f32
      %parallel_loop3A_414 = vector.broadcast %parallel_loop3A_413 : f32 to vector<16xf32>
      %parallel_loop3A_415 = arith.maximumf %parallel_loop3A_412, %parallel_loop3A_414 : vector<16xf32>
      %parallel_loop3A_416 = vector.bitcast %parallel_loop3A_415 : vector<16xf32> to vector<16xi32>
      %parallel_loop3A_417 = arith.constant 1 : i32
      %parallel_loop3A_418 = vector.broadcast %parallel_loop3A_417 : i32 to vector<16xi32>
      %parallel_loop3A_419 = arith.shrsi %parallel_loop3A_416, %parallel_loop3A_418 : vector<16xi32>
      %parallel_loop3A_420 = arith.constant 1597463007 : i32
      %parallel_loop3A_421 = vector.broadcast %parallel_loop3A_420 : i32 to vector<16xi32>
      %parallel_loop3A_422 = arith.subi %parallel_loop3A_421, %parallel_loop3A_419 : vector<16xi32>
      %parallel_loop3A_423 = vector.bitcast %parallel_loop3A_422 : vector<16xi32> to vector<16xf32>
      %parallel_loop3A_424 = arith.constant 5.000000e-01 : f32
      %parallel_loop3A_425 = vector.broadcast %parallel_loop3A_424 : f32 to vector<16xf32>
      %parallel_loop3A_426 = arith.mulf %parallel_loop3A_425, %parallel_loop3A_415 : vector<16xf32>
      %parallel_loop3A_427 = arith.mulf %parallel_loop3A_426, %parallel_loop3A_423 : vector<16xf32>
      %parallel_loop3A_428 = arith.mulf %parallel_loop3A_427, %parallel_loop3A_423 : vector<16xf32>
      %parallel_loop3A_429 = arith.constant 1.500000e+00 : f32
      %parallel_loop3A_430 = vector.broadcast %parallel_loop3A_429 : f32 to vector<16xf32>
      %parallel_loop3A_431 = arith.subf %parallel_loop3A_430, %parallel_loop3A_428 : vector<16xf32>
      %parallel_loop3A_432 = arith.mulf %parallel_loop3A_423, %parallel_loop3A_431 : vector<16xf32>
      %parallel_loop3A_433 = arith.mulf %parallel_loop3A_415, %parallel_loop3A_432 : vector<16xf32>
      %parallel_loop3A_434 = arith.constant 0.000000e+00 : f32
      %parallel_loop3A_435 = vector.broadcast %parallel_loop3A_434 : f32 to vector<16xf32>
      %parallel_loop3A_436 = arith.subf %parallel_loop3A_435, %parallel_loop3A_433 : vector<16xf32>
      %parallel_loop3A_437 = math.exp %parallel_loop3A_436 : vector<16xf32>
      %parallel_loop3A_438 = arith.mulf %mul3A_222, %parallel_loop3A_408 : vector<16xf32>
      %parallel_loop3A_439 = arith.mulf %mul3A_237, %parallel_loop3A_409 : vector<16xf32>
      %parallel_loop3A_440 = arith.addf %parallel_loop3A_438, %parallel_loop3A_439 : vector<16xf32>
      %parallel_loop3A_441 = arith.constant 1.000000e-30 : f32
      %parallel_loop3A_442 = vector.broadcast %parallel_loop3A_441 : f32 to vector<16xf32>
      %parallel_loop3A_443 = arith.maximumf %parallel_loop3A_440, %parallel_loop3A_442 : vector<16xf32>
      %parallel_loop3A_444 = vector.bitcast %parallel_loop3A_443 : vector<16xf32> to vector<16xi32>
      %parallel_loop3A_445 = arith.constant 1 : i32
      %parallel_loop3A_446 = vector.broadcast %parallel_loop3A_445 : i32 to vector<16xi32>
      %parallel_loop3A_447 = arith.shrsi %parallel_loop3A_444, %parallel_loop3A_446 : vector<16xi32>
      %parallel_loop3A_448 = arith.constant 1597463007 : i32
      %parallel_loop3A_449 = vector.broadcast %parallel_loop3A_448 : i32 to vector<16xi32>
      %parallel_loop3A_450 = arith.subi %parallel_loop3A_449, %parallel_loop3A_447 : vector<16xi32>
      %parallel_loop3A_451 = vector.bitcast %parallel_loop3A_450 : vector<16xi32> to vector<16xf32>
      %parallel_loop3A_452 = arith.constant 5.000000e-01 : f32
      %parallel_loop3A_453 = vector.broadcast %parallel_loop3A_452 : f32 to vector<16xf32>
      %parallel_loop3A_454 = arith.mulf %parallel_loop3A_453, %parallel_loop3A_443 : vector<16xf32>
      %parallel_loop3A_455 = arith.mulf %parallel_loop3A_454, %parallel_loop3A_451 : vector<16xf32>
      %parallel_loop3A_456 = arith.mulf %parallel_loop3A_455, %parallel_loop3A_451 : vector<16xf32>
      %parallel_loop3A_457 = arith.constant 1.500000e+00 : f32
      %parallel_loop3A_458 = vector.broadcast %parallel_loop3A_457 : f32 to vector<16xf32>
      %parallel_loop3A_459 = arith.subf %parallel_loop3A_458, %parallel_loop3A_456 : vector<16xf32>
      %parallel_loop3A_460 = arith.mulf %parallel_loop3A_451, %parallel_loop3A_459 : vector<16xf32>
      %parallel_loop3A_461 = arith.mulf %parallel_loop3A_443, %parallel_loop3A_460 : vector<16xf32>
      %parallel_loop3A_462 = arith.constant 0.000000e+00 : f32
      %parallel_loop3A_463 = vector.broadcast %parallel_loop3A_462 : f32 to vector<16xf32>
      %parallel_loop3A_464 = arith.subf %parallel_loop3A_463, %parallel_loop3A_461 : vector<16xf32>
      %parallel_loop3A_465 = math.exp %parallel_loop3A_464 : vector<16xf32>
      %parallel_loop3A_466 = arith.mulf %parallel_loop3A_351, %parallel_loop3A_437 : vector<16xf32>
      %parallel_loop3A_467 = arith.mulf %parallel_loop3A_355, %parallel_loop3A_465 : vector<16xf32>
      %parallel_loop3A_468 = arith.addf %parallel_loop3A_466, %parallel_loop3A_467 : vector<16xf32>
      %parallel_loop3A_469 = arith.subf %parallel_loop3A_362, %parallel_loop3A_382 : vector<16xf32>
      %parallel_loop3A_470 = arith.subf %parallel_loop3A_365, %parallel_loop3A_385 : vector<16xf32>
      %parallel_loop3A_471 = arith.mulf %parallel_loop3A_469, %parallel_loop3A_469 : vector<16xf32>
      %parallel_loop3A_472 = arith.mulf %parallel_loop3A_470, %parallel_loop3A_470 : vector<16xf32>
      %parallel_loop3A_473 = arith.mulf %mul3A_192, %parallel_loop3A_471 : vector<16xf32>
      %parallel_loop3A_474 = arith.mulf %mul3A_207, %parallel_loop3A_472 : vector<16xf32>
      %parallel_loop3A_475 = arith.addf %parallel_loop3A_473, %parallel_loop3A_474 : vector<16xf32>
      %parallel_loop3A_476 = arith.constant 1.000000e-30 : f32
      %parallel_loop3A_477 = vector.broadcast %parallel_loop3A_476 : f32 to vector<16xf32>
      %parallel_loop3A_478 = arith.maximumf %parallel_loop3A_475, %parallel_loop3A_477 : vector<16xf32>
      %parallel_loop3A_479 = vector.bitcast %parallel_loop3A_478 : vector<16xf32> to vector<16xi32>
      %parallel_loop3A_480 = arith.constant 1 : i32
      %parallel_loop3A_481 = vector.broadcast %parallel_loop3A_480 : i32 to vector<16xi32>
      %parallel_loop3A_482 = arith.shrsi %parallel_loop3A_479, %parallel_loop3A_481 : vector<16xi32>
      %parallel_loop3A_483 = arith.constant 1597463007 : i32
      %parallel_loop3A_484 = vector.broadcast %parallel_loop3A_483 : i32 to vector<16xi32>
      %parallel_loop3A_485 = arith.subi %parallel_loop3A_484, %parallel_loop3A_482 : vector<16xi32>
      %parallel_loop3A_486 = vector.bitcast %parallel_loop3A_485 : vector<16xi32> to vector<16xf32>
      %parallel_loop3A_487 = arith.constant 5.000000e-01 : f32
      %parallel_loop3A_488 = vector.broadcast %parallel_loop3A_487 : f32 to vector<16xf32>
      %parallel_loop3A_489 = arith.mulf %parallel_loop3A_488, %parallel_loop3A_478 : vector<16xf32>
      %parallel_loop3A_490 = arith.mulf %parallel_loop3A_489, %parallel_loop3A_486 : vector<16xf32>
      %parallel_loop3A_491 = arith.mulf %parallel_loop3A_490, %parallel_loop3A_486 : vector<16xf32>
      %parallel_loop3A_492 = arith.constant 1.500000e+00 : f32
      %parallel_loop3A_493 = vector.broadcast %parallel_loop3A_492 : f32 to vector<16xf32>
      %parallel_loop3A_494 = arith.subf %parallel_loop3A_493, %parallel_loop3A_491 : vector<16xf32>
      %parallel_loop3A_495 = arith.mulf %parallel_loop3A_486, %parallel_loop3A_494 : vector<16xf32>
      %parallel_loop3A_496 = arith.mulf %parallel_loop3A_478, %parallel_loop3A_495 : vector<16xf32>
      %parallel_loop3A_497 = arith.constant 0.000000e+00 : f32
      %parallel_loop3A_498 = vector.broadcast %parallel_loop3A_497 : f32 to vector<16xf32>
      %parallel_loop3A_499 = arith.subf %parallel_loop3A_498, %parallel_loop3A_496 : vector<16xf32>
      %parallel_loop3A_500 = math.exp %parallel_loop3A_499 : vector<16xf32>
      %parallel_loop3A_501 = arith.mulf %mul3A_222, %parallel_loop3A_471 : vector<16xf32>
      %parallel_loop3A_502 = arith.mulf %mul3A_237, %parallel_loop3A_472 : vector<16xf32>
      %parallel_loop3A_503 = arith.addf %parallel_loop3A_501, %parallel_loop3A_502 : vector<16xf32>
      %parallel_loop3A_504 = arith.constant 1.000000e-30 : f32
      %parallel_loop3A_505 = vector.broadcast %parallel_loop3A_504 : f32 to vector<16xf32>
      %parallel_loop3A_506 = arith.maximumf %parallel_loop3A_503, %parallel_loop3A_505 : vector<16xf32>
      %parallel_loop3A_507 = vector.bitcast %parallel_loop3A_506 : vector<16xf32> to vector<16xi32>
      %parallel_loop3A_508 = arith.constant 1 : i32
      %parallel_loop3A_509 = vector.broadcast %parallel_loop3A_508 : i32 to vector<16xi32>
      %parallel_loop3A_510 = arith.shrsi %parallel_loop3A_507, %parallel_loop3A_509 : vector<16xi32>
      %parallel_loop3A_511 = arith.constant 1597463007 : i32
      %parallel_loop3A_512 = vector.broadcast %parallel_loop3A_511 : i32 to vector<16xi32>
      %parallel_loop3A_513 = arith.subi %parallel_loop3A_512, %parallel_loop3A_510 : vector<16xi32>
      %parallel_loop3A_514 = vector.bitcast %parallel_loop3A_513 : vector<16xi32> to vector<16xf32>
      %parallel_loop3A_515 = arith.constant 5.000000e-01 : f32
      %parallel_loop3A_516 = vector.broadcast %parallel_loop3A_515 : f32 to vector<16xf32>
      %parallel_loop3A_517 = arith.mulf %parallel_loop3A_516, %parallel_loop3A_506 : vector<16xf32>
      %parallel_loop3A_518 = arith.mulf %parallel_loop3A_517, %parallel_loop3A_514 : vector<16xf32>
      %parallel_loop3A_519 = arith.mulf %parallel_loop3A_518, %parallel_loop3A_514 : vector<16xf32>
      %parallel_loop3A_520 = arith.constant 1.500000e+00 : f32
      %parallel_loop3A_521 = vector.broadcast %parallel_loop3A_520 : f32 to vector<16xf32>
      %parallel_loop3A_522 = arith.subf %parallel_loop3A_521, %parallel_loop3A_519 : vector<16xf32>
      %parallel_loop3A_523 = arith.mulf %parallel_loop3A_514, %parallel_loop3A_522 : vector<16xf32>
      %parallel_loop3A_524 = arith.mulf %parallel_loop3A_506, %parallel_loop3A_523 : vector<16xf32>
      %parallel_loop3A_525 = arith.constant 0.000000e+00 : f32
      %parallel_loop3A_526 = vector.broadcast %parallel_loop3A_525 : f32 to vector<16xf32>
      %parallel_loop3A_527 = arith.subf %parallel_loop3A_526, %parallel_loop3A_524 : vector<16xf32>
      %parallel_loop3A_528 = math.exp %parallel_loop3A_527 : vector<16xf32>
      %parallel_loop3A_529 = arith.mulf %parallel_loop3A_351, %parallel_loop3A_500 : vector<16xf32>
      %parallel_loop3A_530 = arith.mulf %parallel_loop3A_355, %parallel_loop3A_528 : vector<16xf32>
      %parallel_loop3A_531 = arith.addf %parallel_loop3A_529, %parallel_loop3A_530 : vector<16xf32>
      %parallel_loop3A_532 = arith.subf %parallel_loop3A_362, %parallel_loop3A_392 : vector<16xf32>
      %parallel_loop3A_533 = arith.subf %parallel_loop3A_365, %parallel_loop3A_395 : vector<16xf32>
      %parallel_loop3A_534 = arith.mulf %parallel_loop3A_532, %parallel_loop3A_532 : vector<16xf32>
      %parallel_loop3A_535 = arith.mulf %parallel_loop3A_533, %parallel_loop3A_533 : vector<16xf32>
      %parallel_loop3A_536 = arith.mulf %mul3A_192, %parallel_loop3A_534 : vector<16xf32>
      %parallel_loop3A_537 = arith.mulf %mul3A_207, %parallel_loop3A_535 : vector<16xf32>
      %parallel_loop3A_538 = arith.addf %parallel_loop3A_536, %parallel_loop3A_537 : vector<16xf32>
      %parallel_loop3A_539 = arith.constant 1.000000e-30 : f32
      %parallel_loop3A_540 = vector.broadcast %parallel_loop3A_539 : f32 to vector<16xf32>
      %parallel_loop3A_541 = arith.maximumf %parallel_loop3A_538, %parallel_loop3A_540 : vector<16xf32>
      %parallel_loop3A_542 = vector.bitcast %parallel_loop3A_541 : vector<16xf32> to vector<16xi32>
      %parallel_loop3A_543 = arith.constant 1 : i32
      %parallel_loop3A_544 = vector.broadcast %parallel_loop3A_543 : i32 to vector<16xi32>
      %parallel_loop3A_545 = arith.shrsi %parallel_loop3A_542, %parallel_loop3A_544 : vector<16xi32>
      %parallel_loop3A_546 = arith.constant 1597463007 : i32
      %parallel_loop3A_547 = vector.broadcast %parallel_loop3A_546 : i32 to vector<16xi32>
      %parallel_loop3A_548 = arith.subi %parallel_loop3A_547, %parallel_loop3A_545 : vector<16xi32>
      %parallel_loop3A_549 = vector.bitcast %parallel_loop3A_548 : vector<16xi32> to vector<16xf32>
      %parallel_loop3A_550 = arith.constant 5.000000e-01 : f32
      %parallel_loop3A_551 = vector.broadcast %parallel_loop3A_550 : f32 to vector<16xf32>
      %parallel_loop3A_552 = arith.mulf %parallel_loop3A_551, %parallel_loop3A_541 : vector<16xf32>
      %parallel_loop3A_553 = arith.mulf %parallel_loop3A_552, %parallel_loop3A_549 : vector<16xf32>
      %parallel_loop3A_554 = arith.mulf %parallel_loop3A_553, %parallel_loop3A_549 : vector<16xf32>
      %parallel_loop3A_555 = arith.constant 1.500000e+00 : f32
      %parallel_loop3A_556 = vector.broadcast %parallel_loop3A_555 : f32 to vector<16xf32>
      %parallel_loop3A_557 = arith.subf %parallel_loop3A_556, %parallel_loop3A_554 : vector<16xf32>
      %parallel_loop3A_558 = arith.mulf %parallel_loop3A_549, %parallel_loop3A_557 : vector<16xf32>
      %parallel_loop3A_559 = arith.mulf %parallel_loop3A_541, %parallel_loop3A_558 : vector<16xf32>
      %parallel_loop3A_560 = arith.constant 0.000000e+00 : f32
      %parallel_loop3A_561 = vector.broadcast %parallel_loop3A_560 : f32 to vector<16xf32>
      %parallel_loop3A_562 = arith.subf %parallel_loop3A_561, %parallel_loop3A_559 : vector<16xf32>
      %parallel_loop3A_563 = math.exp %parallel_loop3A_562 : vector<16xf32>
      %parallel_loop3A_564 = arith.mulf %mul3A_222, %parallel_loop3A_534 : vector<16xf32>
      %parallel_loop3A_565 = arith.mulf %mul3A_237, %parallel_loop3A_535 : vector<16xf32>
      %parallel_loop3A_566 = arith.addf %parallel_loop3A_564, %parallel_loop3A_565 : vector<16xf32>
      %parallel_loop3A_567 = arith.constant 1.000000e-30 : f32
      %parallel_loop3A_568 = vector.broadcast %parallel_loop3A_567 : f32 to vector<16xf32>
      %parallel_loop3A_569 = arith.maximumf %parallel_loop3A_566, %parallel_loop3A_568 : vector<16xf32>
      %parallel_loop3A_570 = vector.bitcast %parallel_loop3A_569 : vector<16xf32> to vector<16xi32>
      %parallel_loop3A_571 = arith.constant 1 : i32
      %parallel_loop3A_572 = vector.broadcast %parallel_loop3A_571 : i32 to vector<16xi32>
      %parallel_loop3A_573 = arith.shrsi %parallel_loop3A_570, %parallel_loop3A_572 : vector<16xi32>
      %parallel_loop3A_574 = arith.constant 1597463007 : i32
      %parallel_loop3A_575 = vector.broadcast %parallel_loop3A_574 : i32 to vector<16xi32>
      %parallel_loop3A_576 = arith.subi %parallel_loop3A_575, %parallel_loop3A_573 : vector<16xi32>
      %parallel_loop3A_577 = vector.bitcast %parallel_loop3A_576 : vector<16xi32> to vector<16xf32>
      %parallel_loop3A_578 = arith.constant 5.000000e-01 : f32
      %parallel_loop3A_579 = vector.broadcast %parallel_loop3A_578 : f32 to vector<16xf32>
      %parallel_loop3A_580 = arith.mulf %parallel_loop3A_579, %parallel_loop3A_569 : vector<16xf32>
      %parallel_loop3A_581 = arith.mulf %parallel_loop3A_580, %parallel_loop3A_577 : vector<16xf32>
      %parallel_loop3A_582 = arith.mulf %parallel_loop3A_581, %parallel_loop3A_577 : vector<16xf32>
      %parallel_loop3A_583 = arith.constant 1.500000e+00 : f32
      %parallel_loop3A_584 = vector.broadcast %parallel_loop3A_583 : f32 to vector<16xf32>
      %parallel_loop3A_585 = arith.subf %parallel_loop3A_584, %parallel_loop3A_582 : vector<16xf32>
      %parallel_loop3A_586 = arith.mulf %parallel_loop3A_577, %parallel_loop3A_585 : vector<16xf32>
      %parallel_loop3A_587 = arith.mulf %parallel_loop3A_569, %parallel_loop3A_586 : vector<16xf32>
      %parallel_loop3A_588 = arith.constant 0.000000e+00 : f32
      %parallel_loop3A_589 = vector.broadcast %parallel_loop3A_588 : f32 to vector<16xf32>
      %parallel_loop3A_590 = arith.subf %parallel_loop3A_589, %parallel_loop3A_587 : vector<16xf32>
      %parallel_loop3A_591 = math.exp %parallel_loop3A_590 : vector<16xf32>
      %parallel_loop3A_592 = arith.mulf %parallel_loop3A_351, %parallel_loop3A_563 : vector<16xf32>
      %parallel_loop3A_593 = arith.mulf %parallel_loop3A_355, %parallel_loop3A_591 : vector<16xf32>
      %parallel_loop3A_594 = arith.addf %parallel_loop3A_592, %parallel_loop3A_593 : vector<16xf32>
      %parallel_loop3A_595 = arith.subf %parallel_loop3A_362, %parallel_loop3A_402 : vector<16xf32>
      %parallel_loop3A_596 = arith.subf %parallel_loop3A_365, %parallel_loop3A_405 : vector<16xf32>
      %parallel_loop3A_597 = arith.mulf %parallel_loop3A_595, %parallel_loop3A_595 : vector<16xf32>
      %parallel_loop3A_598 = arith.mulf %parallel_loop3A_596, %parallel_loop3A_596 : vector<16xf32>
      %parallel_loop3A_599 = arith.mulf %mul3A_192, %parallel_loop3A_597 : vector<16xf32>
      %parallel_loop3A_600 = arith.mulf %mul3A_207, %parallel_loop3A_598 : vector<16xf32>
      %parallel_loop3A_601 = arith.addf %parallel_loop3A_599, %parallel_loop3A_600 : vector<16xf32>
      %parallel_loop3A_602 = arith.constant 1.000000e-30 : f32
      %parallel_loop3A_603 = vector.broadcast %parallel_loop3A_602 : f32 to vector<16xf32>
      %parallel_loop3A_604 = arith.maximumf %parallel_loop3A_601, %parallel_loop3A_603 : vector<16xf32>
      %parallel_loop3A_605 = vector.bitcast %parallel_loop3A_604 : vector<16xf32> to vector<16xi32>
      %parallel_loop3A_606 = arith.constant 1 : i32
      %parallel_loop3A_607 = vector.broadcast %parallel_loop3A_606 : i32 to vector<16xi32>
      %parallel_loop3A_608 = arith.shrsi %parallel_loop3A_605, %parallel_loop3A_607 : vector<16xi32>
      %parallel_loop3A_609 = arith.constant 1597463007 : i32
      %parallel_loop3A_610 = vector.broadcast %parallel_loop3A_609 : i32 to vector<16xi32>
      %parallel_loop3A_611 = arith.subi %parallel_loop3A_610, %parallel_loop3A_608 : vector<16xi32>
      %parallel_loop3A_612 = vector.bitcast %parallel_loop3A_611 : vector<16xi32> to vector<16xf32>
      %parallel_loop3A_613 = arith.constant 5.000000e-01 : f32
      %parallel_loop3A_614 = vector.broadcast %parallel_loop3A_613 : f32 to vector<16xf32>
      %parallel_loop3A_615 = arith.mulf %parallel_loop3A_614, %parallel_loop3A_604 : vector<16xf32>
      %parallel_loop3A_616 = arith.mulf %parallel_loop3A_615, %parallel_loop3A_612 : vector<16xf32>
      %parallel_loop3A_617 = arith.mulf %parallel_loop3A_616, %parallel_loop3A_612 : vector<16xf32>
      %parallel_loop3A_618 = arith.constant 1.500000e+00 : f32
      %parallel_loop3A_619 = vector.broadcast %parallel_loop3A_618 : f32 to vector<16xf32>
      %parallel_loop3A_620 = arith.subf %parallel_loop3A_619, %parallel_loop3A_617 : vector<16xf32>
      %parallel_loop3A_621 = arith.mulf %parallel_loop3A_612, %parallel_loop3A_620 : vector<16xf32>
      %parallel_loop3A_622 = arith.mulf %parallel_loop3A_604, %parallel_loop3A_621 : vector<16xf32>
      %parallel_loop3A_623 = arith.constant 0.000000e+00 : f32
      %parallel_loop3A_624 = vector.broadcast %parallel_loop3A_623 : f32 to vector<16xf32>
      %parallel_loop3A_625 = arith.subf %parallel_loop3A_624, %parallel_loop3A_622 : vector<16xf32>
      %parallel_loop3A_626 = math.exp %parallel_loop3A_625 : vector<16xf32>
      %parallel_loop3A_627 = arith.mulf %mul3A_222, %parallel_loop3A_597 : vector<16xf32>
      %parallel_loop3A_628 = arith.mulf %mul3A_237, %parallel_loop3A_598 : vector<16xf32>
      %parallel_loop3A_629 = arith.addf %parallel_loop3A_627, %parallel_loop3A_628 : vector<16xf32>
      %parallel_loop3A_630 = arith.constant 1.000000e-30 : f32
      %parallel_loop3A_631 = vector.broadcast %parallel_loop3A_630 : f32 to vector<16xf32>
      %parallel_loop3A_632 = arith.maximumf %parallel_loop3A_629, %parallel_loop3A_631 : vector<16xf32>
      %parallel_loop3A_633 = vector.bitcast %parallel_loop3A_632 : vector<16xf32> to vector<16xi32>
      %parallel_loop3A_634 = arith.constant 1 : i32
      %parallel_loop3A_635 = vector.broadcast %parallel_loop3A_634 : i32 to vector<16xi32>
      %parallel_loop3A_636 = arith.shrsi %parallel_loop3A_633, %parallel_loop3A_635 : vector<16xi32>
      %parallel_loop3A_637 = arith.constant 1597463007 : i32
      %parallel_loop3A_638 = vector.broadcast %parallel_loop3A_637 : i32 to vector<16xi32>
      %parallel_loop3A_639 = arith.subi %parallel_loop3A_638, %parallel_loop3A_636 : vector<16xi32>
      %parallel_loop3A_640 = vector.bitcast %parallel_loop3A_639 : vector<16xi32> to vector<16xf32>
      %parallel_loop3A_641 = arith.constant 5.000000e-01 : f32
      %parallel_loop3A_642 = vector.broadcast %parallel_loop3A_641 : f32 to vector<16xf32>
      %parallel_loop3A_643 = arith.mulf %parallel_loop3A_642, %parallel_loop3A_632 : vector<16xf32>
      %parallel_loop3A_644 = arith.mulf %parallel_loop3A_643, %parallel_loop3A_640 : vector<16xf32>
      %parallel_loop3A_645 = arith.mulf %parallel_loop3A_644, %parallel_loop3A_640 : vector<16xf32>
      %parallel_loop3A_646 = arith.constant 1.500000e+00 : f32
      %parallel_loop3A_647 = vector.broadcast %parallel_loop3A_646 : f32 to vector<16xf32>
      %parallel_loop3A_648 = arith.subf %parallel_loop3A_647, %parallel_loop3A_645 : vector<16xf32>
      %parallel_loop3A_649 = arith.mulf %parallel_loop3A_640, %parallel_loop3A_648 : vector<16xf32>
      %parallel_loop3A_650 = arith.mulf %parallel_loop3A_632, %parallel_loop3A_649 : vector<16xf32>
      %parallel_loop3A_651 = arith.constant 0.000000e+00 : f32
      %parallel_loop3A_652 = vector.broadcast %parallel_loop3A_651 : f32 to vector<16xf32>
      %parallel_loop3A_653 = arith.subf %parallel_loop3A_652, %parallel_loop3A_650 : vector<16xf32>
      %parallel_loop3A_654 = math.exp %parallel_loop3A_653 : vector<16xf32>
      %parallel_loop3A_655 = arith.mulf %parallel_loop3A_351, %parallel_loop3A_626 : vector<16xf32>
      %parallel_loop3A_656 = arith.mulf %parallel_loop3A_355, %parallel_loop3A_654 : vector<16xf32>
      %parallel_loop3A_657 = arith.addf %parallel_loop3A_655, %parallel_loop3A_656 : vector<16xf32>
      %parallel_loop3A_658 = arith.addf %parallel_loop3A_468, %parallel_loop3A_531 : vector<16xf32>
      %parallel_loop3A_659 = arith.addf %parallel_loop3A_594, %parallel_loop3A_657 : vector<16xf32>
      %parallel_loop3A_660 = arith.addf %parallel_loop3A_658, %parallel_loop3A_659 : vector<16xf32>
      %parallel_loop3A_661 = arith.constant 1.000000e+00 : f32
      %parallel_loop3A_662 = vector.broadcast %parallel_loop3A_661 : f32 to vector<16xf32>
      %parallel_loop3A_663 = arith.divf %parallel_loop3A_662, %parallel_loop3A_660 : vector<16xf32>
      %parallel_loop3A_664 = arith.mulf %parallel_loop3A_468, %parallel_loop3A_663 : vector<16xf32>
      %parallel_loop3A_665 = arith.constant 0 : i32
      %parallel_loop3A_666 = arith.addi %parallel_loop3A_665, %parallel_loop3A_314 : i32
      %parallel_loop3A_667 = arith.index_cast %parallel_loop3A_666 : i32 to index
      %parallel_loop3A_668 = tpu.vector_load %arg12[%parallel_loop3A_667] {strides = array<i32>} : memref<2048xf32, #tpu.memory_space<vmem>>, vector<16xf32>,
      tpu.vector_store %arg12[%parallel_loop3A_667], %parallel_loop3A_664 {strides = array<i32>} : memref<2048xf32, #tpu.memory_space<vmem>>, vector<16xf32>,
      %parallel_loop3A_669 = arith.mulf %parallel_loop3A_531, %parallel_loop3A_663 : vector<16xf32>
      %parallel_loop3A_670 = arith.constant 512 : i32
      %parallel_loop3A_671 = arith.addi %parallel_loop3A_670, %parallel_loop3A_314 : i32
      %parallel_loop3A_672 = arith.index_cast %parallel_loop3A_671 : i32 to index
      %parallel_loop3A_673 = tpu.vector_load %arg12[%parallel_loop3A_672] {strides = array<i32>} : memref<2048xf32, #tpu.memory_space<vmem>>, vector<16xf32>,
      tpu.vector_store %arg12[%parallel_loop3A_672], %parallel_loop3A_669 {strides = array<i32>} : memref<2048xf32, #tpu.memory_space<vmem>>, vector<16xf32>,
      %parallel_loop3A_674 = arith.mulf %parallel_loop3A_594, %parallel_loop3A_663 : vector<16xf32>
      %parallel_loop3A_675 = arith.constant 1024 : i32
      %parallel_loop3A_676 = arith.addi %parallel_loop3A_675, %parallel_loop3A_314 : i32
      %parallel_loop3A_677 = arith.index_cast %parallel_loop3A_676 : i32 to index
      %parallel_loop3A_678 = tpu.vector_load %arg12[%parallel_loop3A_677] {strides = array<i32>} : memref<2048xf32, #tpu.memory_space<vmem>>, vector<16xf32>,
      tpu.vector_store %arg12[%parallel_loop3A_677], %parallel_loop3A_674 {strides = array<i32>} : memref<2048xf32, #tpu.memory_space<vmem>>, vector<16xf32>,
      %parallel_loop3A_679 = arith.mulf %parallel_loop3A_657, %parallel_loop3A_663 : vector<16xf32>
      %parallel_loop3A_680 = arith.constant 1536 : i32
      %parallel_loop3A_681 = arith.addi %parallel_loop3A_680, %parallel_loop3A_314 : i32
      %parallel_loop3A_682 = arith.index_cast %parallel_loop3A_681 : i32 to index
      %parallel_loop3A_683 = tpu.vector_load %arg12[%parallel_loop3A_682] {strides = array<i32>} : memref<2048xf32, #tpu.memory_space<vmem>>, vector<16xf32>,
      tpu.vector_store %arg12[%parallel_loop3A_682], %parallel_loop3A_679 {strides = array<i32>} : memref<2048xf32, #tpu.memory_space<vmem>>, vector<16xf32>,
    } {sc.loop_unroll_factor = 8 : i64, sc.parallel_access}
    %dma_start3A_240 = arith.constant 0 : i32
    %dma_start3A_241 = arith.constant 0 : i32
    %dma_start3A_242 = tpu.memref_slice %arg12[%dma_start3A_241] : memref<2048xf32, #tpu.memory_space<vmem>> -> memref<512xf32, #tpu.memory_space<vmem>>
    %dma_start3A_243 = tpu.memref_slice %arg7[%dma_start3A_240, %mul3A_2] : memref<4x16384xf32, #tpu.memory_space<hbm>> -> memref<1x512xf32, #tpu.memory_space<hbm>>
    %dma_start3A_244 = tpu.memref_squeeze %dma_start3A_243 : memref<1x512xf32, #tpu.memory_space<hbm>> -> memref<512xf32, #tpu.memory_space<hbm>>
    %dma_start3A_245 = tpu.memref_slice %arg7[%dma_start3A_240, %mul3A_2] : memref<4x16384xf32, #tpu.memory_space<hbm>> -> memref<1x512xf32, #tpu.memory_space<hbm>>
    %dma_start3A_246 = tpu.memref_squeeze %dma_start3A_245 : memref<1x512xf32, #tpu.memory_space<hbm>> -> memref<512xf32, #tpu.memory_space<hbm>>
    %dma_start3A_247 = arith.constant 0 : i32
    %dma_start3A_248 = tpu.memref_slice %arg12[%dma_start3A_247] : memref<2048xf32, #tpu.memory_space<vmem>> -> memref<512xf32, #tpu.memory_space<vmem>>
    tpu.enqueue_dma source(%dma_start3A_248 : memref<512xf32, #tpu.memory_space<vmem>>) target(%dma_start3A_246 : memref<512xf32, #tpu.memory_space<hbm>>) target_semaphore(%arg13 : memref<!tpu.dma_semaphore, #tpu.memory_space<semaphore_mem>>)
    %dma_start3A_249 = arith.constant 1 : i32
    %dma_start3A_250 = arith.constant 512 : i32
    %dma_start3A_251 = tpu.memref_slice %arg12[%dma_start3A_250] : memref<2048xf32, #tpu.memory_space<vmem>> -> memref<512xf32, #tpu.memory_space<vmem>>
    %dma_start3A_252 = tpu.memref_slice %arg7[%dma_start3A_249, %mul3A_2] : memref<4x16384xf32, #tpu.memory_space<hbm>> -> memref<1x512xf32, #tpu.memory_space<hbm>>
    %dma_start3A_253 = tpu.memref_squeeze %dma_start3A_252 : memref<1x512xf32, #tpu.memory_space<hbm>> -> memref<512xf32, #tpu.memory_space<hbm>>
    %dma_start3A_254 = tpu.memref_slice %arg7[%dma_start3A_249, %mul3A_2] : memref<4x16384xf32, #tpu.memory_space<hbm>> -> memref<1x512xf32, #tpu.memory_space<hbm>>
    %dma_start3A_255 = tpu.memref_squeeze %dma_start3A_254 : memref<1x512xf32, #tpu.memory_space<hbm>> -> memref<512xf32, #tpu.memory_space<hbm>>
    %dma_start3A_256 = arith.constant 512 : i32
    %dma_start3A_257 = tpu.memref_slice %arg12[%dma_start3A_256] : memref<2048xf32, #tpu.memory_space<vmem>> -> memref<512xf32, #tpu.memory_space<vmem>>
    tpu.enqueue_dma source(%dma_start3A_257 : memref<512xf32, #tpu.memory_space<vmem>>) target(%dma_start3A_255 : memref<512xf32, #tpu.memory_space<hbm>>) target_semaphore(%arg13 : memref<!tpu.dma_semaphore, #tpu.memory_space<semaphore_mem>>)
    %dma_start3A_258 = arith.constant 2 : i32
    %dma_start3A_259 = arith.constant 1024 : i32
    %dma_start3A_260 = tpu.memref_slice %arg12[%dma_start3A_259] : memref<2048xf32, #tpu.memory_space<vmem>> -> memref<512xf32, #tpu.memory_space<vmem>>
    %dma_start3A_261 = tpu.memref_slice %arg7[%dma_start3A_258, %mul3A_2] : memref<4x16384xf32, #tpu.memory_space<hbm>> -> memref<1x512xf32, #tpu.memory_space<hbm>>
    %dma_start3A_262 = tpu.memref_squeeze %dma_start3A_261 : memref<1x512xf32, #tpu.memory_space<hbm>> -> memref<512xf32, #tpu.memory_space<hbm>>
    %dma_start3A_263 = tpu.memref_slice %arg7[%dma_start3A_258, %mul3A_2] : memref<4x16384xf32, #tpu.memory_space<hbm>> -> memref<1x512xf32, #tpu.memory_space<hbm>>
    %dma_start3A_264 = tpu.memref_squeeze %dma_start3A_263 : memref<1x512xf32, #tpu.memory_space<hbm>> -> memref<512xf32, #tpu.memory_space<hbm>>
    %dma_start3A_265 = arith.constant 1024 : i32
    %dma_start3A_266 = tpu.memref_slice %arg12[%dma_start3A_265] : memref<2048xf32, #tpu.memory_space<vmem>> -> memref<512xf32, #tpu.memory_space<vmem>>
    tpu.enqueue_dma source(%dma_start3A_266 : memref<512xf32, #tpu.memory_space<vmem>>) target(%dma_start3A_264 : memref<512xf32, #tpu.memory_space<hbm>>) target_semaphore(%arg13 : memref<!tpu.dma_semaphore, #tpu.memory_space<semaphore_mem>>)
    %dma_start3A_267 = arith.constant 3 : i32
    %dma_start3A_268 = arith.constant 1536 : i32
    %dma_start3A_269 = tpu.memref_slice %arg12[%dma_start3A_268] : memref<2048xf32, #tpu.memory_space<vmem>> -> memref<512xf32, #tpu.memory_space<vmem>>
    %dma_start3A_270 = tpu.memref_slice %arg7[%dma_start3A_267, %mul3A_2] : memref<4x16384xf32, #tpu.memory_space<hbm>> -> memref<1x512xf32, #tpu.memory_space<hbm>>
    %dma_start3A_271 = tpu.memref_squeeze %dma_start3A_270 : memref<1x512xf32, #tpu.memory_space<hbm>> -> memref<512xf32, #tpu.memory_space<hbm>>
    %dma_start3A_272 = tpu.memref_slice %arg7[%dma_start3A_267, %mul3A_2] : memref<4x16384xf32, #tpu.memory_space<hbm>> -> memref<1x512xf32, #tpu.memory_space<hbm>>
    %dma_start3A_273 = tpu.memref_squeeze %dma_start3A_272 : memref<1x512xf32, #tpu.memory_space<hbm>> -> memref<512xf32, #tpu.memory_space<hbm>>
    %dma_start3A_274 = arith.constant 1536 : i32
    %dma_start3A_275 = tpu.memref_slice %arg12[%dma_start3A_274] : memref<2048xf32, #tpu.memory_space<vmem>> -> memref<512xf32, #tpu.memory_space<vmem>>
    tpu.enqueue_dma source(%dma_start3A_275 : memref<512xf32, #tpu.memory_space<vmem>>) target(%dma_start3A_273 : memref<512xf32, #tpu.memory_space<hbm>>) target_semaphore(%arg13 : memref<!tpu.dma_semaphore, #tpu.memory_space<semaphore_mem>>)
    %dma_wait3A_276 = arith.constant 0 : i32
    %dma_wait3A_277 = arith.constant 0 : i32
    %dma_wait3A_278 = tpu.memref_slice %arg12[%dma_wait3A_277] : memref<2048xf32, #tpu.memory_space<vmem>> -> memref<512xf32, #tpu.memory_space<vmem>>
    %dma_wait3A_279 = tpu.memref_slice %arg7[%dma_wait3A_276, %mul3A_2] : memref<4x16384xf32, #tpu.memory_space<hbm>> -> memref<1x512xf32, #tpu.memory_space<hbm>>
    %dma_wait3A_280 = tpu.memref_squeeze %dma_wait3A_279 : memref<1x512xf32, #tpu.memory_space<hbm>> -> memref<512xf32, #tpu.memory_space<hbm>>
    %dma_wait3A_281 = tpu.memref_slice %arg7[%dma_wait3A_276, %mul3A_2] : memref<4x16384xf32, #tpu.memory_space<hbm>> -> memref<1x512xf32, #tpu.memory_space<hbm>>
    %dma_wait3A_282 = tpu.memref_squeeze %dma_wait3A_281 : memref<1x512xf32, #tpu.memory_space<hbm>> -> memref<512xf32, #tpu.memory_space<hbm>>
    %dma_wait3A_283 = arith.constant 0 : i32
    %dma_wait3A_284 = tpu.memref_slice %arg12[%dma_wait3A_283] : memref<2048xf32, #tpu.memory_space<vmem>> -> memref<512xf32, #tpu.memory_space<vmem>>
    tpu.wait_dma2 semaphore(%arg13 : memref<!tpu.dma_semaphore, #tpu.memory_space<semaphore_mem>>) src(%dma_wait3A_284 : memref<512xf32, #tpu.memory_space<vmem>>) dst(%dma_wait3A_282 : memref<512xf32, #tpu.memory_space<hbm>>)
    %dma_wait3A_285 = arith.constant 1 : i32
    %dma_wait3A_286 = arith.constant 512 : i32
    %dma_wait3A_287 = tpu.memref_slice %arg12[%dma_wait3A_286] : memref<2048xf32, #tpu.memory_space<vmem>> -> memref<512xf32, #tpu.memory_space<vmem>>
    %dma_wait3A_288 = tpu.memref_slice %arg7[%dma_wait3A_285, %mul3A_2] : memref<4x16384xf32, #tpu.memory_space<hbm>> -> memref<1x512xf32, #tpu.memory_space<hbm>>
    %dma_wait3A_289 = tpu.memref_squeeze %dma_wait3A_288 : memref<1x512xf32, #tpu.memory_space<hbm>> -> memref<512xf32, #tpu.memory_space<hbm>>
    %dma_wait3A_290 = tpu.memref_slice %arg7[%dma_wait3A_285, %mul3A_2] : memref<4x16384xf32, #tpu.memory_space<hbm>> -> memref<1x512xf32, #tpu.memory_space<hbm>>
    %dma_wait3A_291 = tpu.memref_squeeze %dma_wait3A_290 : memref<1x512xf32, #tpu.memory_space<hbm>> -> memref<512xf32, #tpu.memory_space<hbm>>
    %dma_wait3A_292 = arith.constant 512 : i32
    %dma_wait3A_293 = tpu.memref_slice %arg12[%dma_wait3A_292] : memref<2048xf32, #tpu.memory_space<vmem>> -> memref<512xf32, #tpu.memory_space<vmem>>
    tpu.wait_dma2 semaphore(%arg13 : memref<!tpu.dma_semaphore, #tpu.memory_space<semaphore_mem>>) src(%dma_wait3A_293 : memref<512xf32, #tpu.memory_space<vmem>>) dst(%dma_wait3A_291 : memref<512xf32, #tpu.memory_space<hbm>>)
    %dma_wait3A_294 = arith.constant 2 : i32
    %dma_wait3A_295 = arith.constant 1024 : i32
    %dma_wait3A_296 = tpu.memref_slice %arg12[%dma_wait3A_295] : memref<2048xf32, #tpu.memory_space<vmem>> -> memref<512xf32, #tpu.memory_space<vmem>>
    %dma_wait3A_297 = tpu.memref_slice %arg7[%dma_wait3A_294, %mul3A_2] : memref<4x16384xf32, #tpu.memory_space<hbm>> -> memref<1x512xf32, #tpu.memory_space<hbm>>
    %dma_wait3A_298 = tpu.memref_squeeze %dma_wait3A_297 : memref<1x512xf32, #tpu.memory_space<hbm>> -> memref<512xf32, #tpu.memory_space<hbm>>
    %dma_wait3A_299 = tpu.memref_slice %arg7[%dma_wait3A_294, %mul3A_2] : memref<4x16384xf32, #tpu.memory_space<hbm>> -> memref<1x512xf32, #tpu.memory_space<hbm>>
    %dma_wait3A_300 = tpu.memref_squeeze %dma_wait3A_299 : memref<1x512xf32, #tpu.memory_space<hbm>> -> memref<512xf32, #tpu.memory_space<hbm>>
    %dma_wait3A_301 = arith.constant 1024 : i32
    %dma_wait3A_302 = tpu.memref_slice %arg12[%dma_wait3A_301] : memref<2048xf32, #tpu.memory_space<vmem>> -> memref<512xf32, #tpu.memory_space<vmem>>
    tpu.wait_dma2 semaphore(%arg13 : memref<!tpu.dma_semaphore, #tpu.memory_space<semaphore_mem>>) src(%dma_wait3A_302 : memref<512xf32, #tpu.memory_space<vmem>>) dst(%dma_wait3A_300 : memref<512xf32, #tpu.memory_space<hbm>>)
    %dma_wait3A_303 = arith.constant 3 : i32
    %dma_wait3A_304 = arith.constant 1536 : i32
    %dma_wait3A_305 = tpu.memref_slice %arg12[%dma_wait3A_304] : memref<2048xf32, #tpu.memory_space<vmem>> -> memref<512xf32, #tpu.memory_space<vmem>>
    %dma_wait3A_306 = tpu.memref_slice %arg7[%dma_wait3A_303, %mul3A_2] : memref<4x16384xf32, #tpu.memory_space<hbm>> -> memref<1x512xf32, #tpu.memory_space<hbm>>
    %dma_wait3A_307 = tpu.memref_squeeze %dma_wait3A_306 : memref<1x512xf32, #tpu.memory_space<hbm>> -> memref<512xf32, #tpu.memory_space<hbm>>
    %dma_wait3A_308 = tpu.memref_slice %arg7[%dma_wait3A_303, %mul3A_2] : memref<4x16384xf32, #tpu.memory_space<hbm>> -> memref<1x512xf32, #tpu.memory_space<hbm>>
    %dma_wait3A_309 = tpu.memref_squeeze %dma_wait3A_308 : memref<1x512xf32, #tpu.memory_space<hbm>> -> memref<512xf32, #tpu.memory_space<hbm>>
    %dma_wait3A_310 = arith.constant 1536 : i32
    %dma_wait3A_311 = tpu.memref_slice %arg12[%dma_wait3A_310] : memref<2048xf32, #tpu.memory_space<vmem>> -> memref<512xf32, #tpu.memory_space<vmem>>
    tpu.wait_dma2 semaphore(%arg13 : memref<!tpu.dma_semaphore, #tpu.memory_space<semaphore_mem>>) src(%dma_wait3A_311 : memref<512xf32, #tpu.memory_space<vmem>>) dst(%dma_wait3A_309 : memref<512xf32, #tpu.memory_space<hbm>>)
    return
  }
}

</mosaic_0001>

<sc_bundles>
// kernel: kernel.3.cloned.1.call-start
scs
__scs_entry_jumppad:
0x0: {  	(pc) =	sbr.rel $0x88, $3  }
0x1: {  	(tag) =	ssettag $0x0;
	lr =	simm.s32 $0x1  }
0x2: {  	[smem:$0x3F9A] =	sst lr;
	_ =	strace $0xD0000000  }
0x3: {  	_ = 	snop  }
0x4: {  	_ = 	snop  }
0x5: {  	_ = 	snop  }
0x6: {  	_ = 	snop  }
0x7: {  	_ = 	snop  }
__scs_overlays_trampoline_lowered:
0x8: {  	[smem:$0x3FA9] =	sst s0  }
0x9: {  	[smem:$0x3FAA] =	sst s1  }
0xa: {  	[smem:$0x3FAB] =	sst s2  }
0xb: {  	[smem:$0x3FAC] =	sst s3  }
0xc: {  	[smem:$0x3FAD] =	sst s4  }
0xd: {  	[smem:$0x3FAE] =	sst s5  }
0xe: {  	[smem:$0x3FAF] =	sst s6  }
0xf: {  	[smem:$0x3FB0] =	sst s7  }
0x10: {  	[smem:$0x3FB1] =	sst s8  }
0x11: {  	[smem:$0x3FB2] =	sst s9;
	s0 =	simm.s32 @!p0 $0x0  }
0x12: {  	s1 =	sld [smem:$0x3F98];
	s0 =	simm.s32 @p0 $0x1  }
0x13: {  	[smem:$0x3FB3] =	sst s0;
	s0 =	simm.s32 @!p1 $0x0  }
0x14: {  	s2 =	sld [smem:$0x3F97];
	s0 =	simm.s32 @p1 $0x1  }
0x15: {  	[smem:$0x3FB4] =	sst s0;
	s0 =	simm.s32 @!p2 $0x0  }
0x16: {  	s3 =	sld [smem:$0x3FDB];
	s0 =	simm.s32 @p2 $0x1  }
0x17: {  	s4 =	simm.s32 $0x1BF5;
	[smem:$0x3FB6] =	sst s0  }
0x18: {  	s0 =	sld [smem:$0x3F99];
	_ =	swait.ge [sflag:s4], $0x0  }
0x19: {  	s7 =	sld [smem:$0x3F9A]  }
0x1a: {  	s8 =	sadd.s32 $0xFFFFE003, lr  }
0x1b: {  	s9 =	sadd.s32 $0xFFFFFEF7, lr;
	s5 =	simm.s32 $0xFFFFFFFF;
	p2 =	slt.u32 s8, $0xFFFFF086  }
0x1c: {  	p1 =	slt.u32 s9, $0xF7A;
	s5 =	simm.s32 @!p2 $0x0  }
0x1d: {  	s5 =	simm.s32 @p1 $0x1;
	p0 =	seq.s32 s7, s2  }
0x1e: {  	s7 =	smul.u32 @!p0 $0xF7A, s2;
	p2 =	seq.s32 @!p0 s5, $0x0  }
0x1f: {  	s9 =	smul.u32 $0xF7A, s1;
	s8 =	simm.s32 @!p0 $0x1BF5;
	p2 =	por !p2, p0  }
0x20: {  	[sflag:s8] =	ssyncset.s32 @!p0 $0xFFFFF086;
	s6 =	sadd.s32 @!p0 s3, s7;
	s7 =	simm.s32 @!p0 $0x108  }
0x21: {  	s3 =	sadd.s32 s3, s9;
	s6 =	sadd.s32 @!p0 $0x88, s6;
	s7 =	simm.s32 @p2 $0x1082  }
0x22: {  	[simem:s7], [sflag:s8] =	dma.local @!p0 [hbm:s6], $0xF7A  }
0x23: {  	s9 =	sor.u32 $0xD0000000, s2;
	s6 =	simm.s32 $0x108;
	_ =	swait.ge @!p0 [sflag:s8], $0x0  }
0x24: {  	s3 =	sadd.s32 $0x88, s3;
	s6 =	simm.s32 @!p1 $0x1082;
	[sflag:s4] =	ssyncset.s32 $0xFFFFF086  }
0x25: {  	[simem:s6], [sflag:s4] =	dma.local [hbm:s3], $0xF7A  }
0x26: {  	[smem:$0x3F9A] =	sst s1;
	(tag) =	ssettag s2;
	_ =	strace s9  }
0x27: {  	s1 =	sld [smem:$0x3FAA]  }
0x28: {  	s2 =	sld [smem:$0x3FAB]  }
0x29: {  	s4 =	sld [smem:$0x3FAD]  }
0x2a: {  	p0 =	seq.s32 s5, $0x0;
	s5 =	sld [smem:$0x3FAE]  }
0x2b: {  	s6 =	sld [smem:$0x3FAF]  }
0x2c: {  	s7 =	sld [smem:$0x3FB0]  }
0x2d: {  	s3 =	simm.s32 $0x108;
	s8 =	sld [smem:$0x3FB1]  }
0x2e: {  	s3 =	simm.s32 @!p0 $0x1082;
	s9 =	sld [smem:$0x3FB2]  }
0x2f: {  	lr =	sadd.s32 s0, s3;
	s0 =	sld [smem:$0x3FA9]  }
0x30: {  	s3 =	sld [smem:$0x3FAC]  }
0x31: {  	[smem:$0x3FB5] =	sst s10  }
0x32: {  	s10 =	sld [smem:$0x3FB3];
	_ =	sdelay $0x3  }
0x33: {  	p0 =	seq.s32 s10, $0x1;
	s10 =	sld [smem:$0x3FB5];
	_ =	sdelay $0x3  }
0x34: {  	[smem:$0x3FB5] =	sst s10  }
0x35: {  	s10 =	sld [smem:$0x3FB4];
	_ =	sdelay $0x3  }
0x36: {  	p1 =	seq.s32 s10, $0x1;
	s10 =	sld [smem:$0x3FB5];
	_ =	sdelay $0x3  }
0x37: {  	[smem:$0x3FB5] =	sst s10  }
0x38: {  	s10 =	sld [smem:$0x3FB6]  }
0x39: {  	_ = 	snop;
	(pc) =	sbr.ind lr, $3  }
0x3a: {  	_ = 	snop  }
0x3b: {  	_ = 	snop  }
0x3c: {  	p2 =	seq.s32 s10, $0x1;
	s10 =	sld [smem:$0x3FB5]  }
0x3d: {  	_ =	shalt  }
0x3e: {  	_ =	shalt  }
0x3f: {  	_ =	shalt  }
0x40: {  	_ =	shalt  }
0x41: {  	_ =	shalt  }
0x42: {  	_ =	shalt  }
0x43: {  	_ =	shalt  }
0x44: {  	_ =	shalt  }
0x45: {  	_ =	shalt  }
0x46: {  	_ =	shalt  }
0x47: {  	_ =	shalt  }
0x48: {  	_ =	shalt  }
0x49: {  	_ =	shalt  }
0x4a: {  	_ =	shalt  }
0x4b: {  	_ =	shalt  }
0x4c: {  	_ =	shalt  }
0x4d: {  	_ =	shalt  }
0x4e: {  	_ =	shalt  }
0x4f: {  	_ =	shalt  }
0x50: {  	_ =	shalt  }
0x51: {  	_ =	shalt  }
0x52: {  	_ =	shalt  }
0x53: {  	_ =	shalt  }
0x54: {  	_ =	shalt  }
0x55: {  	_ =	shalt  }
0x56: {  	_ =	shalt  }
0x57: {  	_ =	shalt  }
0x58: {  	_ =	shalt  }
0x59: {  	_ =	shalt  }
0x5a: {  	_ =	shalt  }
0x5b: {  	_ =	shalt  }
0x5c: {  	_ =	shalt  }
0x5d: {  	_ =	shalt  }
0x5e: {  	_ =	shalt  }
0x5f: {  	_ =	shalt  }
0x60: {  	_ =	shalt  }
0x61: {  	_ =	shalt  }
0x62: {  	_ =	shalt  }
0x63: {  	_ =	shalt  }
0x64: {  	_ =	shalt  }
0x65: {  	_ =	shalt  }
0x66: {  	_ =	shalt  }
0x67: {  	_ =	shalt  }
0x68: {  	_ =	shalt  }
0x69: {  	_ =	shalt  }
0x6a: {  	_ =	shalt  }
0x6b: {  	_ =	shalt  }
0x6c: {  	_ =	shalt  }
0x6d: {  	_ =	shalt  }
0x6e: {  	_ =	shalt  }
0x6f: {  	_ =	shalt  }
0x70: {  	_ =	shalt  }
0x71: {  	_ =	shalt  }
0x72: {  	_ =	shalt  }
0x73: {  	_ =	shalt  }
0x74: {  	_ =	shalt  }
0x75: {  	_ =	shalt  }
0x76: {  	_ =	shalt  }
0x77: {  	_ =	shalt  }
0x78: {  	_ =	shalt  }
0x79: {  	_ =	shalt  }
0x7a: {  	_ =	shalt  }
0x7b: {  	_ =	shalt  }
0x7c: {  	_ =	shalt  }
0x7d: {  	_ =	shalt  }
0x7e: {  	_ =	shalt  }
0x7f: {  	_ =	shalt  }
0x80: {  	_ =	shalt  }
0x81: {  	_ =	shalt  }
0x82: {  	_ =	shalt  }
0x83: {  	_ =	shalt  }
0x84: {  	_ =	shalt  }
0x85: {  	_ =	shalt  }
0x86: {  	_ =	shalt  }
0x87: {  	_ =	shalt  }
.Lfunc_end0:
.L_simem_size_0:
called_computation_lowered:
.L_overlay_start_0:
0x88: {  	s2 =	sld [smem:$0x3FD9]  }
0x89: {  	s3 =	sld [smem:$0x3FFE];
	_ =	sdelay $0x1  }
0x8a: {  	s1 =	srdreg.scid  }
0x8b: {  	s0 =	sand.u32 $0x1, s1  }
0x8c: {  	s17 =	sshll.u32 s0, $0xA;
	s2 =	sadd.s32 s3, s2  }
0x8d: {  	s2 =	sadd.s32 s2, s17  }
0x8e: {  	[smem:$0x3FC1] =	sst s2  }
0x8f: {  	_ = 	snop  }
0x90: {  	s2 =	sld [smem:$0x3FC4]  }
0x91: {  	s18 =	sld [smem:$0x3FC3]  }
0x92: {  	s4 =	sld [smem:$0x3FD0];
	(tm) =	ssettm $0x1  }
0x93: {  	s5 =	sld [smem:$0x3FFB];
	_ =	sdelay $0x3  }
0x94: {  	_ =	strace s5  }
0x95: {  	s5 =	sld [smem:$0x3FFC];
	_ =	sdelay $0x3  }
0x96: {  	_ =	strace s5  }
0x97: {  	s5 =	sld [smem:$0x3FFD];
	_ =	sdelay $0x3  }
0x98: {  	_ =	strace s5  }
0x99: {  	_ =	strace $0x8FFFFFFF  }
0x9a: {  	s19 =	sld [smem:$0x3FDB];
	_ =	sdelay $0x1  }
0x9b: {  	s6 =	simm.s32 $_scs_section_size  }
0x9c: {  	s7 =	simm.s32 $_size__tile_overlayer_lowered;
	s8 =	simm.s32 $_tile_overlayer_lowered  }
0x9d: {  	s22 =	simm.s32 $0x1BFF;
	s21 =	sshll.u32 s8, $0x1;
	s5 =	sadd.s32 s6, s19  }
0x9e: {  	s9 =	simm.s32 $0x0;
	s20 =	sshll.u32 s7, $0x1;
	s7 =	sadd.s32 s21, s5  }
0x9f: {  	[timem:s9], [sflag:s22] =	dma.local [hbm:s7], s20  }
0xa0: {  	_ =	swait.ge [sflag:s22], s20  }
0xa1: {  	s6 =	ssub.s32 $0x0, s20;
	[sflag:s22] =	ssyncset.done $0x0  }
0xa2: {  	[sflag:s22] =	ssyncadd.s32 s6;
	_ =	sdelay $0x1  }
0xa3: {  	s23 =	simm.s32 $0x1B8B  }
0xa4: {  	_ =	swait.ge [sflag:s23], $0x1  }
0xa5: {  	[sflag:s23] =	ssyncset.done $0x0  }
0xa6: {  	s25 =	simm.s32 $0x1B8E;
	s24 =	sld [smem:$0x3FFE];
	[sflag:s23] =	ssyncadd.s32 $0xFFFFFFFF  }
0xa7: {  	s26 =	simm.s32 $execute0_lowered;
	[smem:$0x3FD2] =	sst s25  }
0xa8: {  	s7 =	sshll.u32 s26, $0x1;
	_ =	strace $0x80000046;
	[dreg:$0x1] =	wrdreg $0xFFFFFFFF  }
0xa9: {  	s28 =	simm.s32 $_size_execute0_lowered;
	s5 =	sadd.s32 s5, s7;
	[dreg:$0x0] =	wrdreg $0x0  }
0xaa: {  	s7 =	sshll.u32 s28, $0x1;
	[dreg:$0x2] =	wrdreg s5  }
0xab: {  	[dreg:$0x3] =	wrdreg s7  }
0xac: {  	[dreg:$0x4] =	wrdreg $0xC0  }
0xad: {  	_ =	task [dreg:s9], $0x5FFFF  }
0xae: {  	[dreg:$0x1] =	wrdreg $0xFFFFFFFF  }
0xaf: {  	[dreg:$0x0] =	wrdreg $0x60  }
0xb0: {  	[dreg:$0x2] =	wrdreg s24  }
0xb1: {  	[dreg:$0x3] =	wrdreg s4  }
0xb2: {  	[dreg:$0x4] =	wrdreg s2  }
0xb3: {  	[dreg:$0x5] =	wrdreg s18  }
0xb4: {  	[dreg:$0x6] =	wrdreg $0x9  }
0xb5: {  	_ =	task.clear_ibuf [dreg:s9], $0x7FFFF;
	_ =	strace $0x90000046  }
0xb6: {  	s29 =	simm.s32 $0x9;
	_ =	strace $0x80000048  }
0xb7: {  	_ =	swait.ge [sflag:s29], $0x1  }
0xb8: {  	[sflag:s29] =	ssyncadd.s32 $0xFFFFFFFF  }
0xb9: {  	_ =	strace $0x90000048  }
0xba: {  	_ =	sfence  }
0xbb: {  	s30 =	sld [smem:$0x0];
	_ =	sdelay $0x2  }
0xbc: {  	s31 =	sshll.u32 s1, $0xD;
	s1 =	sshrl.u32 s1, $0x2  }
0xbd: {  	s3 =	sand.u32 $0x4000, s31;
	s1 =	sadd.s32 s1, s30  }
0xbe: {  	s0 =	sor.u32 s3, s0;
	s1 =	sshll.u32 s1, $0x11  }
0xbf: {  	s0 =	sor.u32 s1, s0  }
0xc0: {  	s0 =	sadd.s32 $0x8F2B, s0  }
0xc1: {  	[sflag:s0] =	ssyncadd.remote.s32 $0x1  }
0xc2: {  	_ =	sfence.sel $0xFFFF  }
0xc3: {  	[dreg:$0x0] =	wrdreg $0xFFFFFFFF;
	(pc) =	sbr.abs _section_cstart, $3  }
0xc4: {  	[dreg:$0x1] =	wrdreg $0xFFFFFFFF  }
0xc5: {  	_ =	task.clear_ibuf [dreg:s9], $0x2FFFF;
	_ =	strace $0x9FFFFFFF  }
0xc6: {  	(tm) =	ssettm $0x7FFFFFFF  }
0xc7: {  	_ =	shalt  }
tec
execute0_lowered:
.L_overlay_start_1:
0x0: {  	(tag) =	ssettag $0x1  }
0x1: {  	s0 =	rddreg [dreg:$0x0];
	s4 =	simm.s32 $0x0;
	s2 =	srdreg.scid  }
0x2: {  	s5 =	stileid.u32;
	s28 =	simm.s32 $0xE00;
	s29 =	simm.s32 $0x1000  }
0x3: {  	s30 =	simm.s32 $0x1200;
	s31 =	simm.s32 $0x12F8;
	s21 =	simm.s32 $0x1800  }
0x4: {  	s22 =	simm.s32 $0x1A00;
	s23 =	simm.s32 $0x0;
	[smem:$0x7FF] =	sst s4  }
0x5: {  	s1 =	sadd.s32 $0xC00, s0;
	s6 =	sadd.s32 $0x5400, s0;
	s2 =	sand.u32 $0x1, s2  }
0x6: {  	s5 =	sshll.u32 s5, $0x7;
	s3 =	ssub.s32 $0x2, s2;
	s2 =	sshll.u32 s2, $0x6  }
0x7: {  	s0 =	sadd.s32 $0x5600, s0;
	s7 =	sshrl.u32 s3, $0x1;
	s2 =	sor.u32 s2, s5  }
0x8: {  	_ =	strace $0x80000047;
	s3 =	ssub.s32 s3, s7;
	s7 =	sadd.s32 s1, s2  }
0x9: {  	s5 =	sor.u32 $0x800, s2;
	s18 =	sor.u32 $0x1000, s2;
	s19 =	sor.u32 $0x1800, s2  }
0xa: {  	s16 =	sadd.s32 s0, s2;
	s2 =	simm.s32 $0x1400;
	s8 =	sadd.s32 s1, s5  }
0xb: {  	s9 =	sadd.s32 s1, s18;
	s10 =	sadd.s32 s1, s19;
	s11 =	sadd.s32 $0x2000, s7  }
0xc: {  	s12 =	sadd.s32 $0x2800, s7;
	s13 =	sadd.s32 $0x3000, s7;
	s14 =	sadd.s32 $0x3800, s7  }
0xd: {  	s15 =	sadd.s32 $0x4000, s7;
	s17 =	sadd.s32 s0, s5;
	s18 =	sadd.s32 s0, s18  }
0xe: {  	vm0 =	vmmov $0x1;
	s19 =	sadd.s32 s0, s19;
	s20 =	smax.u32 s3, $0x1;
	s0 =	simm.s32 $0x13F0  }
0xf: {  	vm1 =	vcmask $0x308;
	vm2 =	vcmask $0x1F24;
	vm3 =	vcmask $0x2328;
	s5 =	simm.s32 $0x13F8;
	s1 =	simm.s32 $0x1;
	s3 =	simm.s32 $0x1600  }
.LBB2_1:
0x10: {  	[tilespmem:s4], [sflag:$0x1] =	stream.linear.gather [hbm4b:s7+s4], $0x200, $0x38;
	[tilespmem:$0x1C00] =	vst v63  }
0x11: {  	s24 =	simm.s32 $0x200  }
0x12: {  	[tilespmem:s24], [sflag:$0x1] =	stream.linear.gather [hbm4b:s8+s4], $0x200, $0x38;
	[tilespmem:$0x1C00] =	vst v63  }
0x13: {  	s25 =	simm.s32 $0x400  }
0x14: {  	[tilespmem:s25], [sflag:$0x1] =	stream.linear.gather [hbm4b:s9+s4], $0x200, $0x38;
	[tilespmem:$0x1C00] =	vst v63  }
0x15: {  	s26 =	simm.s32 $0x600  }
0x16: {  	[tilespmem:s26], [sflag:$0x1] =	stream.linear.gather [hbm4b:s10+s4], $0x200, $0x38;
	[tilespmem:$0x1C00] =	vst v63  }
0x17: {  	s25 =	simm.s32 $0x800  }
0x18: {  	[tilespmem:s25], [sflag:$0x1] =	stream.linear.gather [hbm4b:s11+s4], $0x200, $0x38;
	[tilespmem:$0x1C00] =	vst v63  }
0x19: {  	s26 =	simm.s32 $0xA00  }
0x1a: {  	[tilespmem:s26], [sflag:$0x1] =	stream.linear.gather [hbm4b:s12+s4], $0x200, $0x38;
	[tilespmem:$0x1C00] =	vst v63  }
0x1b: {  	s25 =	simm.s32 $0xC00  }
0x1c: {  	[tilespmem:s25], [sflag:$0x1] =	stream.linear.gather [hbm4b:s13+s4], $0x200, $0x38;
	[tilespmem:$0x1C00] =	vst v63  }
0x1d: {  	_ = 	snop  }
0x1e: {  	[tilespmem:s28], [sflag:$0x1] =	stream.linear.gather [hbm4b:s14+s4], $0x200, $0x38;
	[tilespmem:$0x1C00] =	vst v63  }
0x1f: {  	_ = 	snop  }
0x20: {  	[tilespmem:s29], [sflag:$0x1] =	stream.linear.gather [hbm4b:s15+s4], $0x200, $0x38;
	[tilespmem:$0x1C00] =	vst v63  }
0x21: {  	s26 =	rddreg [dreg:$0x1]  }
0x22: {  	[tilespmem:s30], [sflag:$0x1] =	stream.linear.gather [hbm4b:s26+s4], $0xF8, $0x38;
	[tilespmem:$0x1C00] =	vst v63  }
0x23: {  	_ = 	snop  }
0x24: {  	[tilespmem:s31], [sflag:$0x1] =	stream.linear.gather [hbm4b:s6+s4], $0xF8, $0x38;
	[tilespmem:$0x1C00] =	vst v63  }
0x25: {  	s25 =	rddreg [dreg:$0x2]  }
0x26: {  	[tilespmem:s0], [sflag:$0x1] =	stream.linear.gather [hbm4b:s25+s4], $0x2, $0x38;
	[tilespmem:$0x1C00] =	vst v63  }
0x27: {  	s26 =	rddreg [dreg:$0x3]  }
0x28: {  	[tilespmem:s5], [sflag:$0x1] =	stream.linear.gather [hbm4b:s26+s4], $0x2, $0x38;
	[tilespmem:$0x1C00] =	vst v63  }
0x29: {  	_ =	swait.ge [sflag:s1], $0x200  }
0x2a: {  	[sflag:s1] =	ssyncset.done $0x0  }
0x2b: {  	[sflag:s1] =	ssyncadd.s32 $0xFFFFFE00  }
0x2c: {  	_ =	swait.ge [sflag:s1], $0x200  }
0x2d: {  	[sflag:s1] =	ssyncset.done $0x0  }
0x2e: {  	[sflag:s1] =	ssyncadd.s32 $0xFFFFFE00  }
0x2f: {  	_ =	swait.ge [sflag:s1], $0x200  }
0x30: {  	[sflag:s1] =	ssyncset.done $0x0  }
0x31: {  	[sflag:s1] =	ssyncadd.s32 $0xFFFFFE00  }
0x32: {  	_ =	swait.ge [sflag:s1], $0x200  }
0x33: {  	[sflag:s1] =	ssyncset.done $0x0  }
0x34: {  	[sflag:s1] =	ssyncadd.s32 $0xFFFFFE00  }
0x35: {  	_ =	swait.ge [sflag:s1], $0x200  }
0x36: {  	[sflag:s1] =	ssyncset.done $0x0  }
0x37: {  	[sflag:s1] =	ssyncadd.s32 $0xFFFFFE00  }
0x38: {  	_ =	swait.ge [sflag:s1], $0x200  }
0x39: {  	[sflag:s1] =	ssyncset.done $0x0  }
0x3a: {  	[sflag:s1] =	ssyncadd.s32 $0xFFFFFE00  }
0x3b: {  	_ =	swait.ge [sflag:s1], $0x200  }
0x3c: {  	[sflag:s1] =	ssyncset.done $0x0  }
0x3d: {  	[sflag:s1] =	ssyncadd.s32 $0xFFFFFE00  }
0x3e: {  	_ =	swait.ge [sflag:s1], $0x200  }
0x3f: {  	[sflag:s1] =	ssyncset.done $0x0  }
0x40: {  	[sflag:s1] =	ssyncadd.s32 $0xFFFFFE00  }
0x41: {  	_ =	swait.ge [sflag:s1], $0x200  }
0x42: {  	[sflag:s1] =	ssyncset.done $0x0  }
0x43: {  	[sflag:s1] =	ssyncadd.s32 $0xFFFFFE00  }
0x44: {  	_ =	swait.ge [sflag:s1], $0xF8  }
0x45: {  	[sflag:s1] =	ssyncset.done $0x0  }
0x46: {  	[sflag:s1] =	ssyncadd.s32 $0xFFFFFF08  }
0x47: {  	_ =	swait.ge [sflag:s1], $0xF8  }
0x48: {  	[sflag:s1] =	ssyncset.done $0x0  }
0x49: {  	[sflag:s1] =	ssyncadd.s32 $0xFFFFFF08  }
0x4a: {  	_ =	swait.ge [sflag:s1], $0x2  }
0x4b: {  	[sflag:s1] =	ssyncset.done $0x0  }
0x4c: {  	[sflag:s1] =	ssyncadd.s32 $0xFFFFFFFE  }
0x4d: {  	_ =	swait.ge [sflag:s1], $0x2  }
0x4e: {  	[sflag:s1] =	ssyncset.done $0x0  }
0x4f: {  	[sflag:s1] =	ssyncadd.s32 $0xFFFFFFFE  }
0x50: {  	v0 =	vld [tilespmem:$0x13F0];
	_ =	sdelay $0x4  }
0x51: {  	v1 =	vnsel vm0, $0x0, v0  }
0x52: {  	(xrf2) =	vadd.scan.msk.f32 $0xffff, v1;
	v1 =	vsel vm1, $0x0, v0  }
0x53: {  	(xrf2) =	vadd.scan.msk.f32 $0xffff, v1;
	v1 =	vsel vm2, $0x0, v0  }
0x54: {  	v0 =	vsel vm3, $0x0, v0;
	(xrf2) =	vadd.scan.msk.f32 $0xffff, v1  }
0x55: {  	(xrf2) =	vadd.scan.msk.f32 $0xffff, v0;
	_ =	sdelay $0x6  }
0x56: {  	v0, _, _ =	vpop (xrf2)  }
0x57: {  	v1, _, _ =	vpop (xrf2)  }
0x58: {  	v2, _, _ =	vpop (xrf2)  }
0x59: {  	v0 =	vmul.f32 $1.000000000e+02, v0;
	v1 =	vmul.f32 $1.000000000e+02, v1;
	v3, _, _ =	vpop (xrf2)  }
0x5a: {  	v2 =	vmul.f32 $1.000000000e+02, v2;
	v3 =	vmul.f32 $1.000000000e+02, v3  }
0x5b: {  	v0 =	vbroadcast v0, $0xF;
	v1 =	vbroadcast v1, $0xF  }
0x5c: {  	s24 =	simm.s32 $0xFFFFFFF8;
	s25 =	simm.s32 $0x840;
	s26 =	simm.s32 $0x1800;
	v2 =	vbroadcast v2, $0xF;
	v3 =	vbroadcast v3, $0xF  }
.LBB2_2:
0x5d: {  	v4 =	vld [tilespmem:s25+$0xFFFFF7C0];
	_ =	sdelay $0x1  }
0x5e: {  	v5 =	vld [tilespmem:s25+$0xFFFFF9C0];
	_ =	sdelay $0x1  }
0x5f: {  	v6 =	vld [tilespmem:s25+$0xFFFFFBC0]  }
0x60: {  	v4 =	vtrunc.f32 v4  }
0x61: {  	v8 =	vld [tilespmem:s25+$0xFFFFFDC0];
	v4 =	vcvt.f32.s32 v4  }
0x62: {  	v5 =	vtrunc.f32 v5  }
0x63: {  	v5 =	vcvt.f32.s32 v5;
	v4 =	vshll.u32 v4, $0x3  }
0x64: {  	v6 =	vtrunc.f32 v6  }
0x65: {  	v9 =	vld [tilespmem:s25+$0x1C0];
	v6 =	vcvt.f32.s32 v6;
	v5 =	vshll.u32 v5, $0x3  }
0x66: {  	v10 =	vld [tilespmem:s25+$0x3C0];
	v8 =	vtrunc.f32 v8  }
0x67: {  	v16 =	vld [tilespmem:s25+$0xFFFFFFC0];
	v8 =	vcvt.f32.s32 v8;
	v6 =	vshll.u32 v6, $0x3  }
0x68: {  	v11 =	vld.idx.msk [tilespmem:v4+s30+$0x0], $0xffff  }
0x69: {  	v8 =	vshll.u32 v8, $0x3;
	v7 =	vor.u32 $0x1, v4;
	v4 =	vld.idx.msk [tilespmem:v4+s31+$0x0], $0xffff  }
0x6a: {  	v14 =	vld.idx.msk [tilespmem:v5+s30+$0x0], $0xffff  }
0x6b: {  	v12 =	vor.u32 $0x1, v5;
	v5 =	vld.idx.msk [tilespmem:v5+s31+$0x0], $0xffff  }
0x6c: {  	v41 =	vld.idx.msk [tilespmem:v6+s30+$0x0], $0xffff  }
0x6d: {  	v17 =	vor.u32 $0x1, v6;
	v6 =	vld.idx.msk [tilespmem:v6+s31+$0x0], $0xffff  }
0x6e: {  	v46 =	vld.idx.msk [tilespmem:v8+s30+$0x0], $0xffff  }
0x6f: {  	v45 =	vor.u32 $0x1, v8;
	v8 =	vld.idx.msk [tilespmem:v8+s31+$0x0], $0xffff  }
0x70: {  	v13 =	vld.idx.msk [tilespmem:v7+s30+$0x0], $0xffff  }
0x71: {  	v7 =	vld.idx.msk [tilespmem:v7+s31+$0x0], $0xffff  }
0x72: {  	v15 =	vld.idx.msk [tilespmem:v12+s30+$0x0], $0xffff  }
0x73: {  	v42 =	vtrunc.f32 v16;
	v12 =	vld.idx.msk [tilespmem:v12+s31+$0x0], $0xffff;
	v11 =	vmul.f32 v11, v9  }
0x74: {  	v20 =	vld.idx.msk [tilespmem:v45+s30+$0x0], $0xffff;
	v4 =	vmul.f32 v4, v10;
	v14 =	vmul.f32 v14, v9  }
0x75: {  	v43 =	vld.idx.msk [tilespmem:v17+s30+$0x0], $0xffff;
	v5 =	vmul.f32 v5, v10;
	v6 =	vmul.f32 v6, v10  }
0x76: {  	v49 =	vmul.f32 v46, v9;
	v8 =	vmul.f32 v8, v10  }
0x77: {  	v44 =	vld.idx.msk [tilespmem:v17+s31+$0x0], $0xffff;
	v13 =	vmul.f32 v13, v9;
	v7 =	vmul.f32 v7, v10  }
0x78: {  	v16 =	vld.idx.msk [tilespmem:v45+s31+$0x0], $0xffff;
	v15 =	vmul.f32 v15, v9;
	v12 =	vmul.f32 v12, v10  }
0x79: {  	v52 =	vmul.f32 v20, v9;
	v4 =	vadd.f32 v4, v11;
	v5 =	vadd.f32 v5, v14  }
0x7a: {  	v11 =	vmul.f32 v41, v9;
	v14 =	vmul.f32 v43, v9;
	v8 =	vadd.f32 v8, v49  }
0x7b: {  	v7 =	vadd.f32 v7, v13;
	v12 =	vadd.f32 v12, v15;
	v13 =	vcvt.f32.s32 v42  }
0x7c: {  	v15 =	vmul.f32 v44, v10;
	v5 =	vsub.f32 v4, v5;
	v6 =	vadd.f32 v6, v11  }
0x7d: {  	v16 =	vmul.f32 v16, v10;
	v8 =	vsub.f32 v4, v8;
	v12 =	vsub.f32 v7, v12  }
0x7e: {  	v44 =	vld [tilespmem:s25+$0xFFFFF7D0];
	v13 =	vshll.u32 v13, $0x3;
	v47 =	vadd.f32 v15, v14;
	v5 =	vmul.f32 v5, v5  }
0x7f: {  	v6 =	vsub.f32 v4, v6;
	v8 =	vmul.f32 v8, v8;
	v12 =	vmul.f32 v12, v12  }
0x80: {  	v11 =	vsub.f32 v7, v47;
	v18 =	vmul.f32 v5, v0;
	v5 =	vmul.f32 v5, v2  }
0x81: {  	v6 =	vmul.f32 v6, v6;
	v19 =	vmul.f32 v12, v1  }
0x82: {  	v48 =	vor.u32 $0x1, v13;
	v12 =	vmul.f32 v12, v3;
	v11 =	vmul.f32 v11, v11  }
0x83: {  	v49 =	vtrunc.f32 v44;
	v24 =	vmul.f32 v6, v0  }
0x84: {  	v53 =	vld.idx.msk [tilespmem:v13+s30+$0x0], $0xffff;
	v18 =	vadd.f32 v19, v18;
	v5 =	vadd.f32 v12, v5;
	v25 =	vmul.f32 v11, v1  }
0x85: {  	v61 =	vadd.f32 v16, v52;
	v13 =	vld.idx.msk [tilespmem:v13+s31+$0x0], $0xffff;
	v6 =	vmul.f32 v6, v2;
	v11 =	vmul.f32 v11, v3  }
0x86: {  	v50 =	vmax.f32 v18, $1.000000000e-30;
	v5 =	vmax.f32 v5, $1.000000000e-30;
	v55 =	vadd.f32 v25, v24  }
0x87: {  	v23 =	vld.idx.msk [tilespmem:v48+s30+$0x0], $0xffff;
	v6 =	vadd.f32 v11, v6;
	v11 =	vsub.f32 v7, v61;
	v51 =	vshra.s32 v50, $0x1  }
0x88: {  	v14 =	vld.idx.msk [tilespmem:v48+s31+$0x0], $0xffff;
	v18 =	vmul.f32 $5.000000000e-01, v50;
	v21 =	vshra.s32 v5, $0x1;
	v22 =	vmul.f32 $5.000000000e-01, v5  }
0x89: {  	v12 =	vsub.s32 $0x5F3759DF, v51;
	v21 =	vsub.s32 $0x5F3759DF, v21;
	v20 =	vmul.f32 v53, v9  }
0x8a: {  	v13 =	vmul.f32 v13, v10;
	v57 =	vmax.f32 v55, $1.000000000e-30;
	v11 =	vmul.f32 v11, v11  }
0x8b: {  	v6 =	vmax.f32 v6, $1.000000000e-30;
	v18 =	vmul.f32 v12, v18;
	v22 =	vmul.f32 v21, v22  }
0x8c: {  	v9 =	vmul.f32 v23, v9;
	v58 =	vshra.s32 v57, $0x1;
	v59 =	vmul.f32 $5.000000000e-01, v57  }
0x8d: {  	v10 =	vmul.f32 v14, v10;
	v63 =	vshra.s32 v6, $0x1;
	v23 =	vmul.f32 v8, v0  }
0x8e: {  	v8 =	vmul.f32 v8, v2;
	v60 =	vsub.s32 $0x5F3759DF, v58;
	v24 =	vmul.f32 v11, v1  }
0x8f: {  	v13 =	vadd.f32 v13, v20;
	v27 =	vmul.f32 v11, v3;
	v18 =	vmul.f32 v12, v18  }
0x90: {  	v22 =	vmul.f32 v21, v22;
	v9 =	vadd.f32 v10, v9;
	v26 =	vadd.f32 v24, v23  }
0x91: {  	v62 =	vmul.f32 v60, v59;
	v4 =	vsub.f32 v4, v13;
	v8 =	vadd.f32 v27, v8  }
0x92: {  	v16 =	vsub.s32 $0x5F3759DF, v63;
	v18 =	vsub.f32 $1.500000000e+00, v18;
	v54 =	vsub.f32 $1.500000000e+00, v22  }
0x93: {  	v14 =	vmul.f32 v60, v62;
	v7 =	vsub.f32 v7, v9;
	v4 =	vmul.f32 v4, v4  }
0x94: {  	v28 =	vmax.f32 v26, $1.000000000e-30;
	v12 =	vmul.f32 v12, v18;
	v56 =	vmul.f32 v21, v54  }
0x95: {  	v8 =	vmax.f32 v8, $1.000000000e-30;
	v21 =	vmul.f32 $5.000000000e-01, v6;
	v7 =	vmul.f32 v7, v7  }
0x96: {  	v14 =	vsub.f32 $1.500000000e+00, v14;
	v29 =	vmul.f32 $5.000000000e-01, v28;
	v34 =	vmul.f32 $5.000000000e-01, v8  }
0x97: {  	v30 =	vshra.s32 v28, $0x1;
	v31 =	vmul.f32 v4, v0;
	v4 =	vmul.f32 v4, v2  }
0x98: {  	v33 =	vshra.s32 v8, $0x1;
	v12 =	vmul.f32 v12, v50;
	v5 =	vmul.f32 v56, v5  }
0x99: {  	v9 =	vsub.s32 $0x5F3759DF, v30;
	v18 =	vmul.f32 v16, v21;
	v14 =	vmul.f32 v60, v14  }
0x9a: {  	v35 =	vsub.s32 $0x5F3759DF, v33;
	v32 =	vmul.f32 v7, v1;
	v7 =	vmul.f32 v7, v3  }
0x9b: {  	v36 =	vmul.f32 v9, v29;
	v37 =	vmul.f32 v35, v34;
	v12 =	vsub.f32 $0.0e+00, v12  }
0x9c: {  	v5 =	vsub.f32 $0.0e+00, v5;
	v22 =	vmul.f32 v16, v18;
	v4 =	vadd.f32 v7, v4  }
0x9d: {  	v7 =	vmul.f32 v9, v36;
	v12 =	vmul.f32 $1.442695020e+00, v12  }
0x9e: {  	v5 =	vmul.f32 $1.442695020e+00, v5;
	v25 =	vsub.f32 $1.500000000e+00, v22;
	v4 =	vmax.f32 v4, $1.000000000e-30  }
0x9f: {  	v7 =	vsub.f32 $1.500000000e+00, v7;
	(erf) = vpow2.f32 v12;
	v12 =	vadd.f32 v32, v31  }
0xa0: {  	v40 =	vshra.s32 v4, $0x1;
	v41 =	vmul.f32 $5.000000000e-01, v4;
	v10 =	vmul.f32 v16, v25  }
0xa1: {  	v16 =	vsub.s32 $0x5F3759DF, v40;
	(erf) = vpow2.f32 v5;
	v12 =	vmax.f32 v12, $1.000000000e-30  }
0xa2: {  	v5 =	vmul.f32 v14, v57;
	v38 =	vshra.s32 v12, $0x1;
	v39 =	vmul.f32 $5.000000000e-01, v12  }
0xa3: {  	v17 =	vmul.f32 v16, v41;
	v6 =	vmul.f32 v10, v6;
	v14 =	vsub.s32 $0x5F3759DF, v38  }
0xa4: {  	v10 =	vmul.f32 v35, v37;
	v15 =	vmul.f32 v14, v39  }
0xa5: {  	v7 =	vmul.f32 v9, v7;
	v5 =	vsub.f32 $0.0e+00, v5;
	v17 =	vmul.f32 v16, v17  }
0xa6: {  	v6 =	vsub.f32 $0.0e+00, v6;
	v10 =	vsub.f32 $1.500000000e+00, v10;
	v15 =	vmul.f32 v14, v15  }
0xa7: {  	v7 =	vmul.f32 v7, v28;
	v5 =	vmul.f32 $1.442695020e+00, v5;
	v43 =	vsub.f32 $1.500000000e+00, v17  }
0xa8: {  	v6 =	vmul.f32 $1.442695020e+00, v6;
	v10 =	vmul.f32 v35, v10;
	v42 =	vsub.f32 $1.500000000e+00, v15  }
0xa9: {  	v45 =	vmul.f32 v16, v43;
	(erf) = vpow2.f32 v5  }
0xaa: {  	v5 =	vsub.f32 $0.0e+00, v7;
	v8 =	vmul.f32 v10, v8;
	v9 =	vmul.f32 v14, v42  }
0xab: {  	v53 =	vld [tilespmem:s25+$0xFFFFFBD0];
	(erf) = vpow2.f32 v6;
	v4 =	vmul.f32 v45, v4  }
0xac: {  	v5 =	vmul.f32 $1.442695020e+00, v5;
	v46 =	vmul.f32 v9, v12  }
0xad: {  	v48 =	vld [tilespmem:s25+$0xFFFFF9D0];
	v47 =	vsub.f32 $0.0e+00, v8;
	v4 =	vsub.f32 $0.0e+00, v4;
	v9 =	vcvt.f32.s32 v49  }
0xae: {  	v51 =	vld [tilespmem:s25+$0x7C0];
	(erf) = vpow2.f32 v5;
	v7 =	vsub.f32 $0.0e+00, v46  }
0xaf: {  	v50 =	vld [tilespmem:s25+$0x5C0];
	v6 =	vmul.f32 $1.442695020e+00, v47;
	v4 =	vmul.f32 $1.442695020e+00, v4;
	v52 =	vshll.u32 v9, $0x3  }
0xb0: {  	v36 =	vld [tilespmem:s25+$0xFFFFFFD0];
	v9 =	vtrunc.f32 v53;
	v5 =	vmul.f32 $1.442695020e+00, v7  }
0xb1: {  	v8 =	vld [tilespmem:s25+$0x3D0];
	(erf) = vpow2.f32 v6;
	v54 =	vor.u32 $0x1, v52;
	v9 =	vcvt.f32.s32 v9  }
0xb2: {  	v12 =	vld [tilespmem:s25+$0x1D0];
	(erf) = vpow2.f32 v5;
	v5 =	vtrunc.f32 v48  }
0xb3: {  	v9 =	vshll.u32 v9, $0x3;
	(erf) = vpow2.f32 v4;
	v4 =	vcvt.f32.s32 v5;
	v5 =	vld [tilespmem:s25+$0xFFFFFDD0]  }
0xb4: {  	v57 =	vld.idx.msk [tilespmem:v52+s30+$0x0], $0xffff  }
0xb5: {  	v62 =	vld.idx.msk [tilespmem:v52+s31+$0x0], $0xffff;
	v56 =	vshll.u32 v4, $0x3  }
0xb6: {  	v60 =	vld.idx.msk [tilespmem:v54+s30+$0x0], $0xffff  }
0xb7: {  	v55 =	vpop (erf);
	v15 =	vtrunc.f32 v36;
	v11 =	vld.idx.msk [tilespmem:v54+s31+$0x0], $0xffff;
	v58 =	vor.u32 $0x1, v56  }
0xb8: {  	v13 =	vmul.f32 v55, v50;
	v15 =	vcvt.f32.s32 v15;
	v42 =	vld.idx.msk [tilespmem:v9+s30+$0x0], $0xffff;
	v4 =	vpop (erf)  }
0xb9: {  	v37 =	vor.u32 $0x1, v9;
	v9 =	vld.idx.msk [tilespmem:v9+s31+$0x0], $0xffff;
	v59 =	vpop (erf);
	v4 =	vmul.f32 v4, v51;
	v5 =	vtrunc.f32 v5  }
0xba: {  	v34 =	vmul.f32 v57, v12;
	v35 =	vmul.f32 v62, v8;
	v61 =	vpop (erf);
	v29 =	vld.idx.msk [tilespmem:v56+s30+$0x0], $0xffff  }
0xbb: {  	v63 =	vmul.f32 v59, v50;
	v33 =	vcvt.f32.s32 v5;
	v27 =	vpop (erf);
	v14 =	vld.idx.msk [tilespmem:v56+s31+$0x0], $0xffff  }
0xbc: {  	v15 =	vshll.u32 v15, $0x3;
	v18 =	vmul.f32 v60, v12;
	v11 =	vmul.f32 v11, v8;
	v28 =	vpop (erf);
	v31 =	vld.idx.msk [tilespmem:v58+s30+$0x0], $0xffff  }
0xbd: {  	v19 =	vmul.f32 v61, v51;
	v4 =	vadd.f32 v4, v13;
	v17 =	vmul.f32 v27, v50;
	v16 =	vld.idx.msk [tilespmem:v58+s31+$0x0], $0xffff;
	v30 =	vpop (erf)  }
0xbe: {  	v44 =	vld.idx.msk [tilespmem:v37+s30+$0x0], $0xffff;
	v11 =	vadd.f32 v11, v18;
	v9 =	vmul.f32 v9, v8;
	v21 =	vmul.f32 v28, v51;
	v32 =	vpop (erf)  }
0xbf: {  	v6 =	vadd.f32 v19, v63;
	v19 =	vld.idx.msk [tilespmem:v37+s31+$0x0], $0xffff;
	v10 =	vmul.f32 v30, v50;
	v13 =	vmul.f32 v32, v51  }
0xc0: {  	v7 =	vadd.f32 v21, v17;
	v17 =	vshll.u32 v33, $0x3;
	v51 =	vor.u32 $0x1, v15  }
0xc1: {  	v39 =	vmul.f32 v29, v12;
	v14 =	vmul.f32 v14, v8;
	v45 =	vor.u32 $0x1, v17  }
0xc2: {  	v56 =	vld.idx.msk [tilespmem:v15+s30+$0x0], $0xffff;
	v5 =	vadd.f32 v13, v10;
	v41 =	vmul.f32 v31, v12;
	v16 =	vmul.f32 v16, v8  }
0xc3: {  	v15 =	vld.idx.msk [tilespmem:v15+s31+$0x0], $0xffff;
	v10 =	vadd.f32 v35, v34;
	v13 =	vmul.f32 v42, v12;
	v14 =	vadd.f32 v14, v39  }
0xc4: {  	v20 =	vmul.f32 v44, v12;
	v19 =	vmul.f32 v19, v8;
	v16 =	vadd.f32 v16, v41  }
0xc5: {  	v9 =	vadd.f32 v9, v13;
	v14 =	vsub.f32 v10, v14  }
0xc6: {  	v46 =	vld.idx.msk [tilespmem:v17+s30+$0x0], $0xffff;
	v50 =	vadd.f32 v19, v20;
	v16 =	vsub.f32 v11, v16  }
0xc7: {  	v24 =	vmul.f32 v56, v12;
	v17 =	vld.idx.msk [tilespmem:v17+s31+$0x0], $0xffff;
	v9 =	vsub.f32 v10, v9;
	v14 =	vmul.f32 v14, v14  }
0xc8: {  	v15 =	vmul.f32 v15, v8;
	v49 =	vld.idx.msk [tilespmem:v45+s30+$0x0], $0xffff;
	v13 =	vsub.f32 v11, v50;
	v16 =	vmul.f32 v16, v16  }
0xc9: {  	v21 =	vld.idx.msk [tilespmem:v45+s31+$0x0], $0xffff;
	v9 =	vmul.f32 v9, v9;
	v47 =	vmul.f32 v14, v0  }
0xca: {  	v27 =	vld.idx.msk [tilespmem:v51+s30+$0x0], $0xffff;
	v14 =	vmul.f32 v14, v2;
	v13 =	vmul.f32 v13, v13  }
0xcb: {  	v38 =	vadd.f32 v6, v4;
	v48 =	vmul.f32 v16, v1;
	v16 =	vmul.f32 v16, v3  }
0xcc: {  	v40 =	vadd.f32 v5, v7;
	v19 =	vld.idx.msk [tilespmem:v51+s31+$0x0], $0xffff;
	v18 =	vmul.f32 v46, v12;
	v53 =	vmul.f32 v17, v8  }
0xcd: {  	v28 =	vmul.f32 v9, v0;
	v9 =	vmul.f32 v9, v2  }
0xce: {  	v43 =	vadd.f32 v40, v38;
	v55 =	vmul.f32 v49, v12;
	v21 =	vmul.f32 v21, v8  }
0xcf: {  	v15 =	vadd.f32 v15, v24;
	v29 =	vmul.f32 v13, v1;
	v12 =	vmul.f32 v27, v12  }
0xd0: {  	v13 =	vmul.f32 v13, v3;
	v22 =	vadd.f32 v48, v47;
	v14 =	vadd.f32 v16, v14  }
0xd1: {  	v8 =	vmul.f32 v19, v8;
	v16 =	vadd.f32 v53, v18;
	v59 =	vadd.f32 v29, v28  }
0xd2: {  	(erf) = vrcp.f32 v43;
	v9 =	vadd.f32 v13, v9;
	v28 =	vadd.f32 v21, v55  }
0xd3: {  	v8 =	vadd.f32 v8, v12;
	v52 =	vmax.f32 v22, $1.000000000e-30;
	v14 =	vmax.f32 v14, $1.000000000e-30  }
0xd4: {  	v16 =	vsub.f32 v10, v16;
	v10 =	vsub.f32 v10, v15;
	v54 =	vshra.s32 v52, $0x1  }
0xd5: {  	v22 =	vmul.f32 $5.000000000e-01, v52;
	v57 =	vshra.s32 v14, $0x1;
	v26 =	vmul.f32 $5.000000000e-01, v14  }
0xd6: {  	v61 =	vmax.f32 v59, $1.000000000e-30;
	v9 =	vmax.f32 v9, $1.000000000e-30;
	v13 =	vsub.f32 v11, v28  }
0xd7: {  	v8 =	vsub.f32 v11, v8;
	v17 =	vsub.s32 $0x5F3759DF, v54;
	v63 =	vmul.f32 $5.000000000e-01, v61  }
0xd8: {  	v25 =	vsub.s32 $0x5F3759DF, v57;
	v31 =	vmul.f32 $5.000000000e-01, v9;
	v16 =	vmul.f32 v16, v16  }
0xd9: {  	v62 =	vshra.s32 v61, $0x1;
	v10 =	vmul.f32 v10, v10;
	v22 =	vmul.f32 v17, v22  }
0xda: {  	v26 =	vmul.f32 v25, v26;
	v27 =	vsub.s32 $0x5F3759DF, v62;
	v13 =	vmul.f32 v13, v13  }
0xdb: {  	v8 =	vmul.f32 v8, v8;
	v29 =	vmul.f32 v27, v63  }
0xdc: {  	v33 =	vmul.f32 v16, v0;
	v38 =	vmul.f32 v16, v2  }
0xdd: {  	v42 =	vmul.f32 v10, v0;
	v10 =	vmul.f32 v10, v2  }
0xde: {  	v22 =	vmul.f32 v17, v22;
	v26 =	vmul.f32 v25, v26  }
0xdf: {  	v30 =	vshra.s32 v9, $0x1;
	v34 =	vmul.f32 v13, v1;
	v13 =	vmul.f32 v13, v3  }
0xe0: {  	v43 =	vmul.f32 v8, v1;
	v8 =	vmul.f32 v8, v3;
	v22 =	vsub.f32 $1.500000000e+00, v22  }
0xe1: {  	v19 =	vmul.f32 v27, v29;
	v58 =	vsub.f32 $1.500000000e+00, v26;
	v37 =	vadd.f32 v34, v33  }
0xe2: {  	v21 =	vsub.s32 $0x5F3759DF, v30;
	v11 =	vadd.f32 v13, v38;
	v16 =	vadd.f32 v43, v42  }
0xe3: {  	v8 =	vadd.f32 v8, v10;
	v19 =	vsub.f32 $1.500000000e+00, v19;
	v17 =	vmul.f32 v17, v22  }
0xe4: {  	v60 =	vmul.f32 v25, v58;
	v22 =	vmul.f32 v21, v31;
	v39 =	vmax.f32 v37, $1.000000000e-30  }
0xe5: {  	v55 =	vld [tilespmem:s25+$0xFFFFF7E0];
	v11 =	vmax.f32 v11, $1.000000000e-30;
	v16 =	vmax.f32 v16, $1.000000000e-30;
	v8 =	vmax.f32 v8, $1.000000000e-30  }
0xe6: {  	v18 =	vmul.f32 v27, v19;
	v40 =	vmul.f32 $5.000000000e-01, v39;
	v41 =	vshra.s32 v39, $0x1  }
0xe7: {  	v44 =	vshra.s32 v11, $0x1;
	v45 =	vmul.f32 $5.000000000e-01, v11;
	v50 =	vmul.f32 $5.000000000e-01, v16  }
0xe8: {  	v58 =	vld [tilespmem:s25+$0xFFFFF9E0];
	v49 =	vshra.s32 v16, $0x1;
	v17 =	vmul.f32 v17, v52;
	v14 =	vmul.f32 v60, v14  }
0xe9: {  	v32 =	vmul.f32 v21, v22;
	v13 =	vsub.s32 $0x5F3759DF, v41;
	v52 =	vmul.f32 $5.000000000e-01, v8  }
0xea: {  	v46 =	vsub.s32 $0x5F3759DF, v44;
	v60 =	vtrunc.f32 v55;
	v36 =	vmul.f32 v18, v61  }
0xeb: {  	v47 =	vmul.f32 v13, v40;
	v48 =	vmul.f32 v46, v45;
	v18 =	vsub.s32 $0x5F3759DF, v49  }
0xec: {  	v17 =	vsub.f32 $0.0e+00, v17;
	v14 =	vsub.f32 $0.0e+00, v14;
	v19 =	vmul.f32 v18, v50  }
0xed: {  	v35 =	vsub.f32 $1.500000000e+00, v32;
	v10 =	vmul.f32 v13, v47;
	v33 =	vtrunc.f32 v58  }
0xee: {  	v51 =	vshra.s32 v8, $0x1;
	v17 =	vmul.f32 $1.442695020e+00, v17;
	v14 =	vmul.f32 $1.442695020e+00, v14  }
0xef: {  	v20 =	vsub.s32 $0x5F3759DF, v51;
	v12 =	vmul.f32 v21, v35;
	v19 =	vmul.f32 v18, v19  }
0xf0: {  	v21 =	vmul.f32 v20, v52;
	v10 =	vsub.f32 $1.500000000e+00, v10;
	(erf) = vpow2.f32 v17  }
0xf1: {  	v9 =	vmul.f32 v12, v9;
	v12 =	vmul.f32 v46, v48;
	v53 =	vsub.f32 $1.500000000e+00, v19  }
0xf2: {  	v21 =	vmul.f32 v20, v21;
	(erf) = vpow2.f32 v14;
	v14 =	vsub.f32 $0.0e+00, v36  }
0xf3: {  	v10 =	vmul.f32 v13, v10;
	v13 =	vmul.f32 v18, v53  }
0xf4: {  	v9 =	vsub.f32 $0.0e+00, v9;
	v12 =	vsub.f32 $1.500000000e+00, v12;
	v14 =	vmul.f32 $1.442695020e+00, v14  }
0xf5: {  	v10 =	vmul.f32 v10, v39;
	v13 =	vmul.f32 v13, v16  }
0xf6: {  	v54 =	vsub.f32 $1.500000000e+00, v21;
	v9 =	vmul.f32 $1.442695020e+00, v9;
	v12 =	vmul.f32 v46, v12  }
0xf7: {  	v34 =	vld [tilespmem:s25+$0xFFFFFBE0];
	v10 =	vsub.f32 $0.0e+00, v10;
	v59 =	vsub.f32 $0.0e+00, v13;
	v13 =	vcvt.f32.s32 v60  }
0xf8: {  	v63 =	vld [tilespmem:s25+$0x7D0];
	v56 =	vmul.f32 v20, v54;
	(erf) = vpow2.f32 v14  }
0xf9: {  	v61 =	vld [tilespmem:s25+$0x5D0];
	v11 =	vmul.f32 v12, v11;
	v10 =	vmul.f32 $1.442695020e+00, v10;
	v32 =	vshll.u32 v13, $0x3  }
0xfa: {  	v58 =	vld [tilespmem:s25+$0xFFFFFFE0];
	(erf) = vpow2.f32 v9;
	v8 =	vmul.f32 v56, v8  }
0xfb: {  	v17 =	vld [tilespmem:s25+$0x1E0];
	(erf) = vpow2.f32 v10;
	v35 =	vor.u32 $0x1, v32;
	v10 =	vcvt.f32.s32 v33  }
0xfc: {  	v36 =	vld [tilespmem:s25+$0xFFFFFDE0];
	v57 =	vsub.f32 $0.0e+00, v11;
	v8 =	vsub.f32 $0.0e+00, v8;
	v11 =	vtrunc.f32 v34  }
0xfd: {  	v13 =	vld [tilespmem:s25+$0x3E0];
	v53 =	vcvt.f32.s32 v11;
	v10 =	vshll.u32 v10, $0x3  }
0xfe: {  	v9 =	vmul.f32 $1.442695020e+00, v57;
	v8 =	vmul.f32 $1.442695020e+00, v8;
	v39 =	vld.idx.msk [tilespmem:v32+s30+$0x0], $0xffff  }
0xff: {  	v62 =	vmul.f32 $1.442695020e+00, v59;
	v55 =	vshll.u32 v53, $0x3;
	v44 =	vld.idx.msk [tilespmem:v32+s31+$0x0], $0xffff  }
0x100: {  	(erf) = vpow2.f32 v9;
	v40 =	vor.u32 $0x1, v10;
	v42 =	vld.idx.msk [tilespmem:v35+s30+$0x0], $0xffff  }
0x101: {  	(erf) = vpow2.f32 v62;
	v15 =	vld.idx.msk [tilespmem:v35+s31+$0x0], $0xffff  }
0x102: {  	v16 =	vtrunc.f32 v36;
	v60 =	vor.u32 $0x1, v55;
	(erf) = vpow2.f32 v8;
	v8 =	vpop (erf);
	v49 =	vld.idx.msk [tilespmem:v10+s30+$0x0], $0xffff  }
0x103: {  	v16 =	vcvt.f32.s32 v16;
	v37 =	vpop (erf);
	v30 =	vld.idx.msk [tilespmem:v10+s31+$0x0], $0xffff  }
0x104: {  	v21 =	vtrunc.f32 v58;
	v38 =	vpop (erf);
	v33 =	vld.idx.msk [tilespmem:v55+s30+$0x0], $0xffff  }
0x105: {  	v21 =	vcvt.f32.s32 v21;
	v16 =	vshll.u32 v16, $0x3;
	v18 =	vmul.f32 v37, v61;
	v41 =	vpop (erf);
	v51 =	vld.idx.msk [tilespmem:v40+s30+$0x0], $0xffff  }
0x106: {  	v45 =	vmul.f32 v38, v63;
	v54 =	vld.idx.msk [tilespmem:v40+s31+$0x0], $0xffff;
	v46 =	vmul.f32 v41, v61  }
0x107: {  	v36 =	vor.u32 $0x1, v16;
	v35 =	vld.idx.msk [tilespmem:v60+s30+$0x0], $0xffff;
	v43 =	vpop (erf);
	v56 =	vmul.f32 v39, v17;
	v57 =	vmul.f32 v44, v13  }
0x108: {  	v21 =	vshll.u32 v21, $0x3;
	v23 =	vld.idx.msk [tilespmem:v60+s31+$0x0], $0xffff;
	v47 =	vpop (erf);
	v24 =	vmul.f32 v43, v63;
	v59 =	vmul.f32 v42, v17  }
0x109: {  	v19 =	vld.idx.msk [tilespmem:v55+s31+$0x0], $0xffff;
	v9 =	vadd.f32 v45, v18;
	v15 =	vmul.f32 v15, v13;
	v22 =	vmul.f32 v47, v61  }
0x10a: {  	v37 =	vld.idx.msk [tilespmem:v16+s30+$0x0], $0xffff;
	v42 =	vor.u32 $0x1, v21;
	v48 =	vpop (erf);
	v62 =	vmul.f32 v30, v13;
	v20 =	vmul.f32 v33, v17  }
0x10b: {  	v16 =	vld.idx.msk [tilespmem:v16+s31+$0x0], $0xffff;
	v10 =	vadd.f32 v24, v46;
	v26 =	vmul.f32 v48, v63;
	v32 =	vmul.f32 v51, v17  }
0x10c: {  	v40 =	vld.idx.msk [tilespmem:v36+s30+$0x0], $0xffff;
	v15 =	vadd.f32 v15, v59;
	v50 =	vpop (erf);
	v18 =	vmul.f32 v54, v13;
	v25 =	vmul.f32 v35, v17  }
0x10d: {  	v46 =	vld.idx.msk [tilespmem:v21+s30+$0x0], $0xffff;
	v23 =	vmul.f32 v23, v13;
	v52 =	vpop (erf);
	v14 =	vmul.f32 v50, v61;
	v24 =	vadd.f32 v10, v9  }
0x10e: {  	v21 =	vld.idx.msk [tilespmem:v21+s31+$0x0], $0xffff;
	v61 =	vmul.f32 v49, v17;
	v12 =	vmul.f32 v52, v63;
	v11 =	vadd.f32 v26, v22  }
0x10f: {  	v19 =	vmul.f32 v19, v13;
	v18 =	vadd.f32 v18, v32;
	v41 =	vadd.f32 v23, v25;
	v26 =	vld.idx.msk [tilespmem:v36+s31+$0x0], $0xffff  }
0x110: {  	v16 =	vmul.f32 v16, v13;
	v23 =	vld.idx.msk [tilespmem:v42+s31+$0x0], $0xffff;
	v34 =	vadd.f32 v62, v61;
	v12 =	vadd.f32 v12, v14  }
0x111: {  	v45 =	vmul.f32 v40, v17;
	v14 =	vadd.f32 v57, v56;
	v18 =	vsub.f32 v15, v18  }
0x112: {  	v19 =	vadd.f32 v19, v20;
	v20 =	vsub.f32 v15, v41;
	v29 =	vmul.f32 v46, v17  }
0x113: {  	v21 =	vmul.f32 v21, v13;
	v22 =	vsub.f32 v14, v34;
	v18 =	vmul.f32 v18, v18  }
0x114: {  	v63 =	vadd.f32 v12, v11;
	v20 =	vmul.f32 v20, v20;
	v26 =	vmul.f32 v26, v13  }
0x115: {  	v19 =	vsub.f32 v14, v19;
	v13 =	vmul.f32 v23, v13;
	v22 =	vmul.f32 v22, v22  }
0x116: {  	v24 =	vadd.f32 v63, v24;
	v39 =	vmul.f32 v18, v1;
	v18 =	vmul.f32 v18, v3  }
0x117: {  	v32 =	vld.idx.msk [tilespmem:v42+s30+$0x0], $0xffff;
	v19 =	vmul.f32 v19, v19;
	v34 =	vmul.f32 v20, v1  }
0x118: {  	v20 =	vmul.f32 v20, v3;
	(erf) = vrcp.f32 v24  }
0x119: {  	v21 =	vadd.f32 v21, v29;
	v38 =	vmul.f32 v22, v0;
	v22 =	vmul.f32 v22, v2  }
0x11a: {  	v55 =	vadd.f32 v26, v45;
	v24 =	vmul.f32 v37, v17;
	v33 =	vmul.f32 v19, v0  }
0x11b: {  	v19 =	vmul.f32 v19, v2;
	v27 =	vadd.f32 v39, v38;
	v18 =	vadd.f32 v18, v22  }
0x11c: {  	v17 =	vmul.f32 v32, v17;
	v49 =	vadd.f32 v34, v33;
	v16 =	vadd.f32 v16, v24  }
0x11d: {  	v19 =	vadd.f32 v20, v19;
	v20 =	vsub.f32 v15, v55  }
0x11e: {  	v13 =	vadd.f32 v13, v17;
	v43 =	vmax.f32 v27, $1.000000000e-30;
	v18 =	vmax.f32 v18, $1.000000000e-30  }
0x11f: {  	v51 =	vmax.f32 v49, $1.000000000e-30;
	v19 =	vmax.f32 v19, $1.000000000e-30;
	v16 =	vsub.f32 v14, v16  }
0x120: {  	v46 =	vld [tilespmem:s25+$0xFFFFF9F0];
	v20 =	vmul.f32 v20, v20;
	v14 =	vsub.f32 v14, v21;
	v13 =	vsub.f32 v15, v13  }
0x121: {  	v44 =	vshra.s32 v43, $0x1;
	v27 =	vmul.f32 $5.000000000e-01, v43;
	v47 =	vshra.s32 v18, $0x1  }
0x122: {  	v31 =	vmul.f32 $5.000000000e-01, v18;
	v52 =	vshra.s32 v51, $0x1;
	v53 =	vmul.f32 $5.000000000e-01, v51  }
0x123: {  	v58 =	vmul.f32 $5.000000000e-01, v19;
	v22 =	vsub.s32 $0x5F3759DF, v44;
	v16 =	vmul.f32 v16, v16  }
0x124: {  	v30 =	vsub.s32 $0x5F3759DF, v47;
	v61 =	vmul.f32 v20, v1;
	v14 =	vmul.f32 v14, v14  }
0x125: {  	v54 =	vsub.s32 $0x5F3759DF, v52;
	v13 =	vmul.f32 v13, v13;
	v52 =	vtrunc.f32 v46  }
0x126: {  	v27 =	vmul.f32 v22, v27;
	v31 =	vmul.f32 v30, v31  }
0x127: {  	v44 =	vld [tilespmem:s25+$0xFFFFF7F0];
	v56 =	vmul.f32 v54, v53;
	v60 =	vmul.f32 v16, v0  }
0x128: {  	v57 =	vshra.s32 v19, $0x1;
	v32 =	vmul.f32 v13, v1;
	v27 =	vmul.f32 v22, v27  }
0x129: {  	v26 =	vsub.s32 $0x5F3759DF, v57;
	v13 =	vmul.f32 v13, v3;
	v31 =	vmul.f32 v30, v31  }
0x12a: {  	v23 =	vmul.f32 v54, v56;
	v25 =	vadd.f32 v61, v60;
	v27 =	vsub.f32 $1.500000000e+00, v27  }
0x12b: {  	v48 =	vsub.f32 $1.500000000e+00, v31;
	v31 =	vmul.f32 v14, v0;
	v14 =	vmul.f32 v14, v2  }
0x12c: {  	v23 =	vsub.f32 $1.500000000e+00, v23;
	v47 =	vtrunc.f32 v44;
	v22 =	vmul.f32 v22, v27  }
0x12d: {  	v28 =	vmax.f32 v25, $1.000000000e-30;
	v50 =	vmul.f32 v30, v48;
	v27 =	vmul.f32 v26, v58  }
0x12e: {  	v23 =	vmul.f32 v54, v23;
	v29 =	vmul.f32 $5.000000000e-01, v28;
	v21 =	vadd.f32 v32, v31  }
0x12f: {  	v13 =	vadd.f32 v13, v14;
	v22 =	vmul.f32 v22, v43;
	v18 =	vmul.f32 v50, v18  }
0x130: {  	v30 =	vshra.s32 v28, $0x1;
	v59 =	vmul.f32 v26, v27;
	v63 =	vmul.f32 v23, v51  }
0x131: {  	v27 =	vmul.f32 v20, v3;
	v21 =	vmax.f32 v21, $1.000000000e-30;
	v13 =	vmax.f32 v13, $1.000000000e-30  }
0x132: {  	v38 =	vshra.s32 v21, $0x1;
	v39 =	vmul.f32 $5.000000000e-01, v21;
	v62 =	vsub.f32 $1.500000000e+00, v59  }
0x133: {  	v40 =	vshra.s32 v13, $0x1;
	v41 =	vmul.f32 $5.000000000e-01, v13;
	v22 =	vsub.f32 $0.0e+00, v22  }
0x134: {  	v23 =	vsub.s32 $0x5F3759DF, v38;
	v17 =	vmul.f32 v26, v62;
	v26 =	vmul.f32 v16, v2  }
0x135: {  	v18 =	vsub.f32 $0.0e+00, v18;
	v24 =	vmul.f32 v23, v39;
	v16 =	vsub.s32 $0x5F3759DF, v30  }
0x136: {  	v22 =	vmul.f32 $1.442695020e+00, v22;
	v36 =	vmul.f32 v16, v29;
	v15 =	vadd.f32 v27, v26  }
0x137: {  	v25 =	vsub.s32 $0x5F3759DF, v40;
	v18 =	vmul.f32 $1.442695020e+00, v18;
	v24 =	vmul.f32 v23, v24  }
0x138: {  	(erf) = vpow2.f32 v22;
	v14 =	vmul.f32 v16, v36;
	v15 =	vmax.f32 v15, $1.000000000e-30  }
0x139: {  	v17 =	vmul.f32 v17, v19;
	v33 =	vshra.s32 v15, $0x1;
	v34 =	vmul.f32 $5.000000000e-01, v15  }
0x13a: {  	v26 =	vmul.f32 v25, v41;
	v14 =	vsub.f32 $1.500000000e+00, v14;
	v35 =	vsub.s32 $0x5F3759DF, v33  }
0x13b: {  	(erf) = vpow2.f32 v18;
	v18 =	vsub.f32 $0.0e+00, v63;
	v37 =	vmul.f32 v35, v34  }
0x13c: {  	v17 =	vsub.f32 $0.0e+00, v17;
	v26 =	vmul.f32 v25, v26;
	v14 =	vmul.f32 v16, v14  }
0x13d: {  	v42 =	vsub.f32 $1.500000000e+00, v24;
	v18 =	vmul.f32 $1.442695020e+00, v18;
	v19 =	vmul.f32 v35, v37  }
0x13e: {  	v17 =	vmul.f32 $1.442695020e+00, v17;
	v43 =	vsub.f32 $1.500000000e+00, v26;
	v14 =	vmul.f32 v14, v28  }
0x13f: {  	(erf) = vpow2.f32 v18;
	v18 =	vcvt.f32.s32 v47;
	v19 =	vsub.f32 $1.500000000e+00, v19  }
0x140: {  	v16 =	vmul.f32 v23, v42;
	v45 =	vmul.f32 v25, v43;
	v14 =	vsub.f32 $0.0e+00, v14  }
0x141: {  	v53 =	vld [tilespmem:s25+$0xFFFFFBF0];
	(erf) = vpow2.f32 v17;
	v51 =	vshll.u32 v18, $0x3;
	v19 =	vmul.f32 v35, v19  }
0x142: {  	v48 =	vld [tilespmem:s25+$0x5E0];
	v16 =	vmul.f32 v16, v21;
	v14 =	vmul.f32 $1.442695020e+00, v14  }
0x143: {  	v50 =	vld [tilespmem:s25+$0x7E0];
	v13 =	vmul.f32 v45, v13;
	v15 =	vmul.f32 v19, v15  }
0x144: {  	v22 =	vld [tilespmem:s25+$0x1F0];
	v54 =	vor.u32 $0x1, v51;
	(erf) = vpow2.f32 v14;
	v14 =	vcvt.f32.s32 v52  }
0x145: {  	v18 =	vld [tilespmem:s25+$0x3F0];
	v13 =	vsub.f32 $0.0e+00, v13;
	v15 =	vsub.f32 $0.0e+00, v15  }
0x146: {  	v16 =	vsub.f32 $0.0e+00, v16;
	v58 =	vld.idx.msk [tilespmem:v51+s30+$0x0], $0xffff;
	v14 =	vshll.u32 v14, $0x3  }
0x147: {  	v13 =	vmul.f32 $1.442695020e+00, v13;
	v52 =	vld [tilespmem:s25+$0xFFFFFFF0];
	v59 =	vor.u32 $0x1, v14;
	v15 =	vmul.f32 $1.442695020e+00, v15  }
0x148: {  	v49 =	vmul.f32 $1.442695020e+00, v16;
	v63 =	vld.idx.msk [tilespmem:v51+s31+$0x0], $0xffff  }
0x149: {  	v61 =	vld.idx.msk [tilespmem:v54+s30+$0x0], $0xffff;
	(erf) = vpow2.f32 v15  }
0x14a: {  	v39 =	vld.idx.msk [tilespmem:v54+s31+$0x0], $0xffff;
	(erf) = vpow2.f32 v49  }
0x14b: {  	v44 =	vtrunc.f32 v53;
	v42 =	vld.idx.msk [tilespmem:v14+s30+$0x0], $0xffff;
	(erf) = vpow2.f32 v13;
	v13 =	vpop (erf)  }
0x14c: {  	v46 =	vcvt.f32.s32 v44;
	v25 =	vtrunc.f32 v52;
	v35 =	vld.idx.msk [tilespmem:v59+s30+$0x0], $0xffff;
	v56 =	vpop (erf)  }
0x14d: {  	v51 =	vmul.f32 v63, v18;
	v25 =	vcvt.f32.s32 v25;
	v49 =	vld.idx.msk [tilespmem:v59+s31+$0x0], $0xffff;
	v57 =	vpop (erf)  }
0x14e: {  	v23 =	vmul.f32 v56, v48;
	v36 =	vmul.f32 v57, v50  }
0x14f: {  	v55 =	vld [tilespmem:s25+$0xFFFFFDF0];
	v53 =	vmul.f32 v61, v22;
	v54 =	vmul.f32 v39, v18;
	v25 =	vshll.u32 v25, $0x3;
	v60 =	vpop (erf)  }
0x150: {  	v62 =	vpop (erf);
	v37 =	vmul.f32 v60, v48;
	v16 =	vadd.f32 v36, v23;
	v23 =	vshll.u32 v46, $0x3  }
0x151: {  	v47 =	vld.idx.msk [tilespmem:v14+s31+$0x0], $0xffff;
	v57 =	vmul.f32 v42, v22;
	v38 =	vpop (erf);
	v40 =	vmul.f32 v62, v50  }
0x152: {  	v60 =	vmul.f32 v35, v22;
	v21 =	vmul.f32 v49, v18;
	v41 =	vpop (erf)  }
0x153: {  	v24 =	vadd.f32 v54, v53;
	v27 =	vmul.f32 v38, v48;
	v29 =	vmul.f32 v41, v50;
	v43 =	vpop (erf)  }
0x154: {  	v46 =	vld.idx.msk [tilespmem:v25+s30+$0x0], $0xffff;
	v45 =	vpop (erf);
	v19 =	vmul.f32 v43, v48;
	v48 =	vtrunc.f32 v55;
	v55 =	vor.u32 $0x1, v23  }
0x155: {  	v21 =	vadd.f32 v21, v60;
	v15 =	vmul.f32 v45, v50;
	v20 =	vcvt.f32.s32 v48;
	v61 =	vld.idx.msk [tilespmem:v23+s30+$0x0], $0xffff  }
0x156: {  	v42 =	vor.u32 $0x1, v25;
	v50 =	vmul.f32 v58, v22;
	v58 =	vmul.f32 v47, v18;
	v23 =	vld.idx.msk [tilespmem:v23+s31+$0x0], $0xffff  }
0x157: {  	v25 =	vld.idx.msk [tilespmem:v25+s31+$0x0], $0xffff;
	v21 =	vsub.f32 v24, v21;
	v15 =	vadd.f32 v15, v19;
	v20 =	vshll.u32 v20, $0x3  }
0x158: {  	v19 =	vadd.f32 v51, v50;
	v62 =	vadd.f32 v58, v57  }
0x159: {  	v17 =	vadd.f32 v40, v37;
	v14 =	vadd.f32 v29, v27;
	v34 =	vmul.f32 v46, v22;
	v63 =	vld.idx.msk [tilespmem:v55+s30+$0x0], $0xffff  }
0x15a: {  	v21 =	vmul.f32 v21, v21;
	v36 =	vor.u32 $0x1, v20;
	v28 =	vld.idx.msk [tilespmem:v55+s31+$0x0], $0xffff;
	v27 =	vsub.f32 v19, v62  }
0x15b: {  	v56 =	vadd.f32 v17, v16;
	v26 =	vmul.f32 v61, v22;
	v23 =	vmul.f32 v23, v18  }
0x15c: {  	v25 =	vmul.f32 v25, v18;
	v59 =	vadd.f32 v15, v14;
	v27 =	vmul.f32 v27, v27;
	v37 =	vld.idx.msk [tilespmem:v20+s30+$0x0], $0xffff  }
0x15d: {  	v39 =	vmul.f32 v21, v1;
	v21 =	vmul.f32 v21, v3;
	v20 =	vld.idx.msk [tilespmem:v20+s31+$0x0], $0xffff;
	v23 =	vadd.f32 v23, v26  }
0x15e: {  	v29 =	vadd.f32 v59, v56;
	v38 =	vmul.f32 v27, v0;
	v27 =	vmul.f32 v27, v2  }
0x15f: {  	v40 =	vld.idx.msk [tilespmem:v36+s30+$0x0], $0xffff;
	v30 =	vmul.f32 v63, v22;
	v28 =	vmul.f32 v28, v18;
	v23 =	vsub.f32 v19, v23  }
0x160: {  	v25 =	vadd.f32 v25, v34;
	(erf) = vrcp.f32 v29;
	v31 =	vld.idx.msk [tilespmem:v36+s31+$0x0], $0xffff;
	v32 =	vadd.f32 v39, v38  }
0x161: {  	v21 =	vadd.f32 v21, v27;
	v41 =	vadd.f32 v28, v30;
	v23 =	vmul.f32 v23, v23  }
0x162: {  	v29 =	vmul.f32 v37, v22;
	v43 =	vmax.f32 v32, $1.000000000e-30;
	v20 =	vmul.f32 v20, v18  }
0x163: {  	v28 =	vld.idx.msk [tilespmem:v42+s31+$0x0], $0xffff;
	v21 =	vmax.f32 v21, $1.000000000e-30;
	v44 =	vshra.s32 v43, $0x1;
	v32 =	vmul.f32 $5.000000000e-01, v43  }
0x164: {  	v45 =	vmul.f32 v40, v22;
	v47 =	vshra.s32 v21, $0x1;
	v36 =	vmul.f32 $5.000000000e-01, v21  }
0x165: {  	v37 =	vld.idx.msk [tilespmem:v42+s30+$0x0], $0xffff;
	v26 =	vsub.f32 v24, v41;
	v31 =	vmul.f32 v31, v18;
	v38 =	vmul.f32 v23, v0  }
0x166: {  	v23 =	vmul.f32 v23, v2;
	v27 =	vsub.s32 $0x5F3759DF, v44;
	v35 =	vsub.s32 $0x5F3759DF, v47  }
0x167: {  	v20 =	vadd.f32 v20, v29;
	v32 =	vmul.f32 v27, v32;
	v36 =	vmul.f32 v35, v36  }
0x168: {  	v26 =	vmul.f32 v26, v26;
	v55 =	vadd.f32 v31, v45;
	v18 =	vmul.f32 v28, v18  }
0x169: {  	v20 =	vsub.f32 v19, v20;
	v32 =	vmul.f32 v27, v32;
	v36 =	vmul.f32 v35, v36  }
0x16a: {  	v19 =	vsub.f32 v19, v25;
	v39 =	vmul.f32 v26, v1;
	v22 =	vmul.f32 v37, v22  }
0x16b: {  	v26 =	vmul.f32 v26, v3;
	v20 =	vmul.f32 v20, v20;
	v32 =	vsub.f32 $1.500000000e+00, v32  }
0x16c: {  	v19 =	vmul.f32 v19, v19;
	v48 =	vsub.f32 $1.500000000e+00, v36;
	v49 =	vadd.f32 v39, v38  }
0x16d: {  	v23 =	vadd.f32 v26, v23;
	v60 =	vmul.f32 v20, v0;
	v20 =	vmul.f32 v20, v2  }
0x16e: {  	v26 =	vsub.f32 v24, v55;
	v39 =	vmul.f32 v19, v0;
	v19 =	vmul.f32 v19, v2  }
0x16f: {  	v18 =	vadd.f32 v18, v22;
	v27 =	vmul.f32 v27, v32;
	v50 =	vmul.f32 v35, v48  }
0x170: {  	v51 =	vmax.f32 v49, $1.000000000e-30;
	v23 =	vmax.f32 v23, $1.000000000e-30;
	v26 =	vmul.f32 v26, v26  }
0x171: {  	v18 =	vsub.f32 v24, v18;
	v52 =	vshra.s32 v51, $0x1;
	v53 =	vmul.f32 $5.000000000e-01, v51  }
0x172: {  	v55 =	vld [tilespmem:s25+$0xFFFFFA00];
	v57 =	vshra.s32 v23, $0x1;
	v58 =	vmul.f32 $5.000000000e-01, v23;
	v27 =	vmul.f32 v27, v43  }
0x173: {  	v21 =	vmul.f32 v50, v21;
	v54 =	vsub.s32 $0x5F3759DF, v52;
	v61 =	vmul.f32 v26, v1  }
0x174: {  	v31 =	vsub.s32 $0x5F3759DF, v57;
	v35 =	vmul.f32 v26, v3;
	v18 =	vmul.f32 v18, v18  }
0x175: {  	v56 =	vmul.f32 v54, v53;
	v32 =	vmul.f32 v31, v58  }
0x176: {  	v27 =	vsub.f32 $0.0e+00, v27;
	v21 =	vsub.f32 $0.0e+00, v21;
	v40 =	vmul.f32 v18, v1  }
0x177: {  	v34 =	vadd.f32 v61, v60;
	v18 =	vmul.f32 v18, v3;
	v60 =	vtrunc.f32 v55  }
0x178: {  	v28 =	vmul.f32 v54, v56;
	v59 =	vmul.f32 v31, v32  }
0x179: {  	v20 =	vadd.f32 v35, v20;
	v27 =	vmul.f32 $1.442695020e+00, v27;
	v21 =	vmul.f32 $1.442695020e+00, v21  }
0x17a: {  	v36 =	vmax.f32 v34, $1.000000000e-30;
	v26 =	vadd.f32 v40, v39;
	v18 =	vadd.f32 v18, v19  }
0x17b: {  	v20 =	vmax.f32 v20, $1.000000000e-30;
	v28 =	vsub.f32 $1.500000000e+00, v28;
	v62 =	vsub.f32 $1.500000000e+00, v59  }
0x17c: {  	v37 =	vmul.f32 $5.000000000e-01, v36;
	v38 =	vshra.s32 v36, $0x1;
	v41 =	vshra.s32 v20, $0x1  }
0x17d: {  	v42 =	vmul.f32 $5.000000000e-01, v20;
	(erf) = vpow2.f32 v27;
	v24 =	vsub.s32 $0x5F3759DF, v38  }
0x17e: {  	v43 =	vsub.s32 $0x5F3759DF, v41;
	v26 =	vmax.f32 v26, $1.000000000e-30;
	v28 =	vmul.f32 v54, v28  }
0x17f: {  	v18 =	vmax.f32 v18, $1.000000000e-30;
	(erf) = vpow2.f32 v21;
	v22 =	vmul.f32 v31, v62  }
0x180: {  	v52 =	vld [tilespmem:s25+$0xFFFFF800];
	v44 =	vmul.f32 v24, v37;
	v45 =	vmul.f32 v43, v42;
	v46 =	vshra.s32 v26, $0x1  }
0x181: {  	v47 =	vmul.f32 $5.000000000e-01, v26;
	v48 =	vshra.s32 v18, $0x1;
	v49 =	vmul.f32 $5.000000000e-01, v18  }
0x182: {  	v30 =	vsub.s32 $0x5F3759DF, v48;
	v63 =	vmul.f32 v28, v51;
	v22 =	vmul.f32 v22, v23  }
0x183: {  	v28 =	vsub.s32 $0x5F3759DF, v46;
	v19 =	vmul.f32 v24, v44;
	v23 =	vmul.f32 v43, v45  }
0x184: {  	v31 =	vmul.f32 v30, v49;
	v29 =	vmul.f32 v28, v47;
	v21 =	vsub.f32 $0.0e+00, v63  }
0x185: {  	v56 =	vtrunc.f32 v52;
	v19 =	vsub.f32 $1.500000000e+00, v19;
	v23 =	vsub.f32 $1.500000000e+00, v23  }
0x186: {  	v22 =	vsub.f32 $0.0e+00, v22;
	v31 =	vmul.f32 v30, v31;
	v29 =	vmul.f32 v28, v29  }
0x187: {  	v19 =	vmul.f32 v24, v19;
	v23 =	vmul.f32 v43, v23  }
0x188: {  	v21 =	vmul.f32 $1.442695020e+00, v21;
	v22 =	vmul.f32 $1.442695020e+00, v22;
	v51 =	vsub.f32 $1.500000000e+00, v31  }
0x189: {  	v50 =	vsub.f32 $1.500000000e+00, v29;
	v19 =	vmul.f32 v19, v36;
	v20 =	vmul.f32 v23, v20  }
0x18a: {  	v53 =	vmul.f32 v30, v51;
	v23 =	vcvt.f32.s32 v56  }
0x18b: {  	v58 =	vld [tilespmem:s25+$0x7F0];
	(erf) = vpow2.f32 v21;
	v24 =	vmul.f32 v28, v50;
	v19 =	vsub.f32 $0.0e+00, v19  }
0x18c: {  	v63 =	vld [tilespmem:s25+$0xFFFFFE00];
	(erf) = vpow2.f32 v22;
	v18 =	vmul.f32 v53, v18;
	v59 =	vshll.u32 v23, $0x3  }
0x18d: {  	v61 =	vld [tilespmem:s25+$0xFFFFFC00];
	v54 =	vmul.f32 v24, v26;
	v19 =	vmul.f32 $1.442695020e+00, v19  }
0x18e: {  	v27 =	vld [tilespmem:s25+$0x200];
	v20 =	vsub.f32 $0.0e+00, v20;
	v62 =	vor.u32 $0x1, v59;
	v18 =	vsub.f32 $0.0e+00, v18  }
0x18f: {  	v23 =	vld [tilespmem:s25+$0x400];
	v21 =	vsub.f32 $0.0e+00, v54;
	(erf) = vpow2.f32 v19;
	v19 =	vcvt.f32.s32 v60  }
0x190: {  	v24 =	vld [tilespmem:s25+$0x5F0];
	v20 =	vmul.f32 $1.442695020e+00, v20;
	v18 =	vmul.f32 $1.442695020e+00, v18  }
0x191: {  	v26 =	vtrunc.f32 v63;
	v57 =	vmul.f32 $1.442695020e+00, v21;
	v44 =	vld.idx.msk [tilespmem:v59+s30+$0x0], $0xffff;
	v42 =	vshll.u32 v19, $0x3  }
0x192: {  	v26 =	vcvt.f32.s32 v26;
	(erf) = vpow2.f32 v20;
	v49 =	vld.idx.msk [tilespmem:v59+s31+$0x0], $0xffff  }
0x193: {  	v22 =	vtrunc.f32 v61;
	v47 =	vld.idx.msk [tilespmem:v62+s30+$0x0], $0xffff;
	(erf) = vpow2.f32 v57;
	v45 =	vor.u32 $0x1, v42  }
0x194: {  	v26 =	vshll.u32 v26, $0x3;
	v25 =	vld.idx.msk [tilespmem:v62+s31+$0x0], $0xffff;
	v57 =	vcvt.f32.s32 v22;
	(erf) = vpow2.f32 v18;
	v18 =	vpop (erf)  }
0x195: {  	v62 =	vld [tilespmem:s25+$0x0];
	v41 =	vpop (erf)  }
0x196: {  	v59 =	vshll.u32 v57, $0x3;
	v43 =	vpop (erf);
	v53 =	vld.idx.msk [tilespmem:v42+s30+$0x0], $0xffff  }
0x197: {  	v46 =	vpop (erf);
	v29 =	vld.idx.msk [tilespmem:v42+s31+$0x0], $0xffff  }
0x198: {  	v28 =	vmul.f32 v41, v24;
	v60 =	vmul.f32 v44, v27;
	v63 =	vor.u32 $0x1, v59;
	v48 =	vpop (erf);
	v55 =	vld.idx.msk [tilespmem:v45+s30+$0x0], $0xffff  }
0x199: {  	v61 =	vmul.f32 v49, v23;
	v34 =	vmul.f32 v48, v58;
	v48 =	vld.idx.msk [tilespmem:v26+s30+$0x0], $0xffff  }
0x19a: {  	v19 =	vmul.f32 v43, v58;
	v33 =	vmul.f32 v47, v27;
	v47 =	vor.u32 $0x1, v26;
	v51 =	vpop (erf);
	v26 =	vld.idx.msk [tilespmem:v26+s31+$0x0], $0xffff  }
0x19b: {  	v25 =	vmul.f32 v25, v23;
	v50 =	vmul.f32 v46, v24;
	v52 =	vpop (erf);
	v44 =	vld.idx.msk [tilespmem:v59+s30+$0x0], $0xffff  }
0x19c: {  	v19 =	vadd.f32 v19, v28;
	v32 =	vmul.f32 v51, v24;
	v31 =	vld.idx.msk [tilespmem:v59+s31+$0x0], $0xffff;
	v36 =	vmul.f32 v52, v58  }
0x19d: {  	v25 =	vadd.f32 v25, v33;
	v46 =	vld.idx.msk [tilespmem:v63+s30+$0x0], $0xffff;
	v54 =	vpop (erf);
	v41 =	vmul.f32 v53, v27;
	v29 =	vmul.f32 v29, v23  }
0x19e: {  	v20 =	vadd.f32 v34, v50;
	v34 =	vld.idx.msk [tilespmem:v63+s31+$0x0], $0xffff;
	v56 =	vpop (erf);
	v24 =	vmul.f32 v54, v24;
	v43 =	vmul.f32 v55, v27  }
0x19f: {  	v22 =	vadd.f32 v36, v32;
	v32 =	vtrunc.f32 v62;
	v21 =	vmul.f32 v56, v58  }
0x1a0: {  	v51 =	vld.idx.msk [tilespmem:v47+s30+$0x0], $0xffff;
	v40 =	vadd.f32 v20, v19;
	v32 =	vcvt.f32.s32 v32;
	v33 =	vmul.f32 v48, v27  }
0x1a1: {  	v36 =	vld.idx.msk [tilespmem:v47+s31+$0x0], $0xffff;
	v29 =	vadd.f32 v29, v41;
	v26 =	vmul.f32 v26, v23;
	v30 =	vmul.f32 v44, v27  }
0x1a2: {  	v58 =	vld.idx.msk [tilespmem:v45+s31+$0x0], $0xffff;
	v31 =	vmul.f32 v31, v23;
	v21 =	vadd.f32 v21, v24;
	v24 =	vadd.f32 v61, v60  }
0x1a3: {  	v35 =	vmul.f32 v46, v27;
	v34 =	vmul.f32 v34, v23;
	v32 =	vshll.u32 v32, $0x3  }
0x1a4: {  	v26 =	vadd.f32 v26, v33;
	v30 =	vadd.f32 v31, v30;
	v53 =	vor.u32 $0x1, v32  }
0x1a5: {  	v56 =	vmul.f32 v51, v27;
	v42 =	vadd.f32 v21, v22;
	v29 =	vsub.f32 v24, v29  }
0x1a6: {  	v52 =	vadd.f32 v34, v35;
	v36 =	vmul.f32 v36, v23;
	v26 =	vsub.f32 v24, v26  }
0x1a7: {  	v28 =	vmul.f32 v58, v23;
	v30 =	vsub.f32 v24, v30;
	v45 =	vadd.f32 v42, v40  }
0x1a8: {  	v29 =	vmul.f32 v29, v29;
	v26 =	vmul.f32 v26, v26  }
0x1a9: {  	v31 =	vsub.f32 v25, v52;
	v57 =	vld.idx.msk [tilespmem:v32+s30+$0x0], $0xffff;
	v30 =	vmul.f32 v30, v30;
	(erf) = vrcp.f32 v45  }
0x1aa: {  	v28 =	vadd.f32 v28, v43;
	v32 =	vld.idx.msk [tilespmem:v32+s31+$0x0], $0xffff;
	v49 =	vmul.f32 v29, v0;
	v29 =	vmul.f32 v29, v2  }
0x1ab: {  	v42 =	vld.idx.msk [tilespmem:v53+s30+$0x0], $0xffff;
	v31 =	vmul.f32 v31, v31;
	v48 =	vmul.f32 v26, v0  }
0x1ac: {  	v34 =	vld.idx.msk [tilespmem:v53+s31+$0x0], $0xffff;
	v28 =	vsub.f32 v25, v28;
	v43 =	vmul.f32 v30, v0;
	v30 =	vmul.f32 v30, v2  }
0x1ad: {  	v44 =	vmul.f32 v31, v1;
	v31 =	vmul.f32 v31, v3  }
0x1ae: {  	v28 =	vmul.f32 v28, v28;
	v39 =	vmul.f32 v57, v27  }
0x1af: {  	v32 =	vmul.f32 v32, v23;
	v59 =	vadd.f32 v44, v43;
	v30 =	vadd.f32 v31, v30  }
0x1b0: {  	v43 =	vadd.f32 v36, v56;
	v50 =	vmul.f32 v28, v1;
	v28 =	vmul.f32 v28, v3  }
0x1b1: {  	v27 =	vmul.f32 v42, v27;
	v23 =	vmul.f32 v34, v23;
	v61 =	vmax.f32 v59, $1.000000000e-30  }
0x1b2: {  	v30 =	vmax.f32 v30, $1.000000000e-30;
	v31 =	vsub.f32 v25, v43;
	v32 =	vadd.f32 v32, v39  }
0x1b3: {  	v37 =	vadd.f32 v50, v49;
	v28 =	vadd.f32 v28, v29;
	v62 =	vshra.s32 v61, $0x1  }
0x1b4: {  	v63 =	vmul.f32 $5.000000000e-01, v61;
	v46 =	vmul.f32 $5.000000000e-01, v30;
	v23 =	vadd.f32 v23, v27  }
0x1b5: {  	v42 =	vsub.s32 $0x5F3759DF, v62;
	v31 =	vmul.f32 v31, v31;
	v54 =	vmax.f32 v37, $1.000000000e-30  }
0x1b6: {  	v28 =	vmax.f32 v28, $1.000000000e-30;
	v55 =	vshra.s32 v54, $0x1;
	v37 =	vmul.f32 $5.000000000e-01, v54  }
0x1b7: {  	v40 =	vshra.s32 v28, $0x1;
	v41 =	vmul.f32 $5.000000000e-01, v28;
	v29 =	vsub.s32 $0x5F3759DF, v55  }
0x1b8: {  	v44 =	vmul.f32 v42, v63;
	v40 =	vsub.s32 $0x5F3759DF, v40;
	v37 =	vmul.f32 v29, v37  }
0x1b9: {  	v24 =	vsub.f32 v24, v32;
	v49 =	vmul.f32 v31, v1;
	v41 =	vmul.f32 v40, v41  }
0x1ba: {  	v23 =	vsub.f32 v25, v23;
	v34 =	vmul.f32 v42, v44;
	v37 =	vmul.f32 v29, v37  }
0x1bb: {  	v45 =	vshra.s32 v30, $0x1;
	v24 =	vmul.f32 v24, v24;
	v41 =	vmul.f32 v40, v41  }
0x1bc: {  	v23 =	vmul.f32 v23, v23;
	v34 =	vsub.f32 $1.500000000e+00, v34;
	v37 =	vsub.f32 $1.500000000e+00, v37  }
0x1bd: {  	v57 =	vmul.f32 v24, v0;
	v24 =	vmul.f32 v24, v2;
	v58 =	vsub.f32 $1.500000000e+00, v41  }
0x1be: {  	v36 =	vsub.s32 $0x5F3759DF, v45;
	v33 =	vmul.f32 v42, v34;
	v29 =	vmul.f32 v29, v37  }
0x1bf: {  	v60 =	vmul.f32 v40, v58;
	v37 =	vmul.f32 v36, v46  }
0x1c0: {  	v58 =	vmul.f32 v23, v1;
	v23 =	vmul.f32 v23, v3  }
0x1c1: {  	v52 =	vadd.f32 v49, v48;
	v29 =	vmul.f32 v29, v54;
	v28 =	vmul.f32 v60, v28  }
0x1c2: {  	v46 =	vld [tilespmem:s25+$0xFFFFF810];
	v47 =	vmul.f32 v36, v37;
	v54 =	vmul.f32 v31, v3;
	v31 =	vadd.f32 v58, v57  }
0x1c3: {  	v53 =	vmul.f32 v26, v2;
	v23 =	vadd.f32 v23, v24;
	v29 =	vsub.f32 $0.0e+00, v29  }
0x1c4: {  	v51 =	vmul.f32 v33, v61;
	v28 =	vsub.f32 $0.0e+00, v28;
	v50 =	vsub.f32 $1.500000000e+00, v47  }
0x1c5: {  	v25 =	vadd.f32 v54, v53;
	v31 =	vmax.f32 v31, $1.000000000e-30;
	v23 =	vmax.f32 v23, $1.000000000e-30  }
0x1c6: {  	v40 =	vshra.s32 v31, $0x1;
	v41 =	vmul.f32 $5.000000000e-01, v31;
	v43 =	vmul.f32 $5.000000000e-01, v23  }
0x1c7: {  	v42 =	vshra.s32 v23, $0x1;
	v49 =	vtrunc.f32 v46;
	v29 =	vmul.f32 $1.442695020e+00, v29  }
0x1c8: {  	v48 =	vld [tilespmem:s25+$0xFFFFFA10];
	v28 =	vmul.f32 $1.442695020e+00, v28;
	v27 =	vmul.f32 v36, v50;
	v25 =	vmax.f32 v25, $1.000000000e-30  }
0x1c9: {  	v33 =	vsub.s32 $0x5F3759DF, v40;
	(erf) = vpow2.f32 v29;
	v29 =	vmax.f32 v52, $1.000000000e-30  }
0x1ca: {  	v35 =	vsub.s32 $0x5F3759DF, v42;
	v55 =	vmul.f32 $5.000000000e-01, v29;
	v56 =	vshra.s32 v29, $0x1  }
0x1cb: {  	v60 =	vmul.f32 $5.000000000e-01, v25;
	v34 =	vmul.f32 v33, v41;
	v26 =	vsub.s32 $0x5F3759DF, v56  }
0x1cc: {  	v36 =	vmul.f32 v35, v43;
	v62 =	vmul.f32 v26, v55  }
0x1cd: {  	v59 =	vshra.s32 v25, $0x1;
	v27 =	vmul.f32 v27, v30;
	v52 =	vtrunc.f32 v48  }
0x1ce: {  	v61 =	vsub.s32 $0x5F3759DF, v59;
	(erf) = vpow2.f32 v28;
	v24 =	vmul.f32 v26, v62  }
0x1cf: {  	v63 =	vmul.f32 v61, v60;
	v36 =	vmul.f32 v35, v36  }
0x1d0: {  	v28 =	vsub.f32 $0.0e+00, v51;
	v34 =	vmul.f32 v33, v34;
	v24 =	vsub.f32 $1.500000000e+00, v24  }
0x1d1: {  	v27 =	vsub.f32 $0.0e+00, v27;
	v30 =	vmul.f32 v61, v63;
	v45 =	vsub.f32 $1.500000000e+00, v36  }
0x1d2: {  	v28 =	vmul.f32 $1.442695020e+00, v28;
	v24 =	vmul.f32 v26, v24  }
0x1d3: {  	v27 =	vmul.f32 $1.442695020e+00, v27;
	v30 =	vsub.f32 $1.500000000e+00, v30;
	v47 =	vmul.f32 v35, v45  }
0x1d4: {  	v44 =	vsub.f32 $1.500000000e+00, v34;
	(erf) = vpow2.f32 v28;
	v24 =	vmul.f32 v24, v29  }
0x1d5: {  	v28 =	vcvt.f32.s32 v49;
	v30 =	vmul.f32 v61, v30  }
0x1d6: {  	(erf) = vpow2.f32 v27;
	v26 =	vmul.f32 v33, v44;
	v24 =	vsub.f32 $0.0e+00, v24  }
0x1d7: {  	v32 =	vld [tilespmem:s25+$0xFFFFFE10];
	v23 =	vmul.f32 v47, v23;
	v51 =	vshll.u32 v28, $0x3;
	v25 =	vmul.f32 v30, v25  }
0x1d8: {  	v53 =	vld [tilespmem:s25+$0xFFFFFC10];
	v26 =	vmul.f32 v26, v31;
	v24 =	vmul.f32 $1.442695020e+00, v24  }
0x1d9: {  	v28 =	vld [tilespmem:s25+$0x410];
	v54 =	vor.u32 $0x1, v51;
	v23 =	vsub.f32 $0.0e+00, v23;
	v25 =	vsub.f32 $0.0e+00, v25  }
0x1da: {  	v30 =	vld [tilespmem:s25+$0x600];
	v26 =	vsub.f32 $0.0e+00, v26;
	(erf) = vpow2.f32 v24;
	v24 =	vcvt.f32.s32 v52  }
0x1db: {  	v23 =	vmul.f32 $1.442695020e+00, v23;
	v29 =	vld [tilespmem:s25+$0x210];
	v25 =	vmul.f32 $1.442695020e+00, v25  }
0x1dc: {  	v58 =	vld.idx.msk [tilespmem:v51+s30+$0x0], $0xffff;
	v50 =	vmul.f32 $1.442695020e+00, v26;
	v56 =	vshll.u32 v24, $0x3  }
0x1dd: {  	v63 =	vld.idx.msk [tilespmem:v51+s31+$0x0], $0xffff;
	(erf) = vpow2.f32 v25  }
0x1de: {  	v27 =	vtrunc.f32 v53;
	v31 =	vld.idx.msk [tilespmem:v54+s31+$0x0], $0xffff;
	(erf) = vpow2.f32 v50  }
0x1df: {  	v27 =	vcvt.f32.s32 v27;
	v26 =	vld [tilespmem:s25+$0x800];
	(erf) = vpow2.f32 v23;
	v23 =	vpop (erf);
	v59 =	vor.u32 $0x1, v56  }
0x1e0: {  	v32 =	vtrunc.f32 v32;
	v61 =	vld.idx.msk [tilespmem:v54+s30+$0x0], $0xffff;
	v55 =	vpop (erf)  }
0x1e1: {  	v32 =	vcvt.f32.s32 v32;
	v57 =	vpop (erf);
	v33 =	vmul.f32 v55, v30;
	v55 =	vshll.u32 v27, $0x3;
	v51 =	vld.idx.msk [tilespmem:v56+s30+$0x0], $0xffff  }
0x1e2: {  	v60 =	vpop (erf);
	v34 =	vld.idx.msk [tilespmem:v56+s31+$0x0], $0xffff  }
0x1e3: {  	v32 =	vshll.u32 v32, $0x3;
	v31 =	vmul.f32 v31, v28;
	v48 =	vmul.f32 v60, v30;
	v60 =	vld [tilespmem:s25+$0x10]  }
0x1e4: {  	v24 =	vmul.f32 v57, v26;
	v57 =	vmul.f32 v63, v28;
	v62 =	vpop (erf);
	v53 =	vld.idx.msk [tilespmem:v59+s30+$0x0], $0xffff  }
0x1e5: {  	v56 =	vmul.f32 v58, v29;
	v39 =	vmul.f32 v62, v26;
	v36 =	vld.idx.msk [tilespmem:v59+s31+$0x0], $0xffff;
	v59 =	vor.u32 $0x1, v55;
	v49 =	vpop (erf)  }
0x1e6: {  	v58 =	vmul.f32 v61, v29;
	v24 =	vadd.f32 v24, v33;
	v50 =	vpop (erf);
	v37 =	vmul.f32 v49, v30;
	v44 =	vld.idx.msk [tilespmem:v55+s30+$0x0], $0xffff  }
0x1e7: {  	v25 =	vadd.f32 v39, v48;
	v46 =	vld.idx.msk [tilespmem:v55+s31+$0x0], $0xffff;
	v49 =	vor.u32 $0x1, v32;
	v41 =	vmul.f32 v50, v26;
	v52 =	vpop (erf)  }
0x1e8: {  	v31 =	vadd.f32 v31, v58;
	v54 =	vpop (erf);
	v30 =	vmul.f32 v52, v30;
	v61 =	vmul.f32 v51, v29;
	v51 =	vld.idx.msk [tilespmem:v32+s30+$0x0], $0xffff  }
0x1e9: {  	v39 =	vadd.f32 v25, v24;
	v34 =	vmul.f32 v34, v28;
	v32 =	vld.idx.msk [tilespmem:v32+s31+$0x0], $0xffff;
	v33 =	vmul.f32 v54, v26  }
0x1ea: {  	v26 =	vadd.f32 v41, v37;
	v63 =	vmul.f32 v53, v29;
	v36 =	vmul.f32 v36, v28;
	v38 =	vld.idx.msk [tilespmem:v59+s31+$0x0], $0xffff  }
0x1eb: {  	v40 =	vtrunc.f32 v60;
	v48 =	vld.idx.msk [tilespmem:v59+s30+$0x0], $0xffff;
	v34 =	vadd.f32 v34, v61;
	v27 =	vadd.f32 v33, v30  }
0x1ec: {  	v50 =	vcvt.f32.s32 v40;
	v30 =	vadd.f32 v57, v56;
	v45 =	vadd.f32 v36, v63;
	v52 =	vld.idx.msk [tilespmem:v49+s30+$0x0], $0xffff  }
0x1ed: {  	v33 =	vmul.f32 v44, v29;
	v36 =	vmul.f32 v46, v28;
	v62 =	vadd.f32 v27, v26  }
0x1ee: {  	v55 =	vshll.u32 v50, $0x3;
	v34 =	vsub.f32 v30, v34;
	v35 =	vsub.f32 v31, v45  }
0x1ef: {  	v33 =	vadd.f32 v36, v33;
	v32 =	vmul.f32 v32, v28;
	v38 =	vmul.f32 v38, v28  }
0x1f0: {  	v36 =	vor.u32 $0x1, v55;
	v34 =	vmul.f32 v34, v34;
	v35 =	vmul.f32 v35, v35  }
0x1f1: {  	v41 =	vld.idx.msk [tilespmem:v49+s31+$0x0], $0xffff;
	v47 =	vadd.f32 v62, v39;
	v39 =	vmul.f32 v48, v29;
	v40 =	vmul.f32 v52, v29  }
0x1f2: {  	v33 =	vsub.f32 v30, v33;
	v53 =	vmul.f32 v34, v0;
	v54 =	vmul.f32 v35, v1  }
0x1f3: {  	v60 =	vld.idx.msk [tilespmem:v55+s30+$0x0], $0xffff;
	v34 =	vmul.f32 v34, v2;
	v35 =	vmul.f32 v35, v3  }
0x1f4: {  	v46 =	vld.idx.msk [tilespmem:v55+s31+$0x0], $0xffff;
	(erf) = vrcp.f32 v47;
	v38 =	vadd.f32 v38, v39;
	v33 =	vmul.f32 v33, v33  }
0x1f5: {  	v39 =	vmul.f32 v51, v29;
	v56 =	vadd.f32 v54, v53;
	v34 =	vadd.f32 v35, v34  }
0x1f6: {  	v35 =	vmul.f32 v41, v28;
	v38 =	vsub.f32 v31, v38;
	v47 =	vmul.f32 v33, v0  }
0x1f7: {  	v63 =	vld.idx.msk [tilespmem:v36+s30+$0x0], $0xffff;
	v33 =	vmul.f32 v33, v2;
	v32 =	vadd.f32 v32, v39;
	v37 =	vmax.f32 v56, $1.000000000e-30  }
0x1f8: {  	v36 =	vld.idx.msk [tilespmem:v36+s31+$0x0], $0xffff;
	v34 =	vmax.f32 v34, $1.000000000e-30;
	v38 =	vmul.f32 v38, v38;
	v43 =	vmul.f32 v60, v29  }
0x1f9: {  	v46 =	vmul.f32 v46, v28;
	v35 =	vadd.f32 v35, v40;
	v32 =	vsub.f32 v30, v32  }
0x1fa: {  	v57 =	vshra.s32 v37, $0x1;
	v59 =	vmul.f32 $5.000000000e-01, v37;
	v61 =	vshra.s32 v34, $0x1  }
0x1fb: {  	v45 =	vmul.f32 $5.000000000e-01, v34;
	v58 =	vsub.s32 $0x5F3759DF, v57;
	v48 =	vmul.f32 v38, v1  }
0x1fc: {  	v44 =	vsub.s32 $0x5F3759DF, v61;
	v38 =	vmul.f32 v38, v3;
	v29 =	vmul.f32 v63, v29  }
0x1fd: {  	v35 =	vsub.f32 v31, v35;
	v32 =	vmul.f32 v32, v32;
	v28 =	vmul.f32 v36, v28  }
0x1fe: {  	v42 =	vmul.f32 v58, v59;
	v45 =	vmul.f32 v44, v45;
	v33 =	vadd.f32 v38, v33  }
0x1ff: {  	v35 =	vmul.f32 v35, v35;
	v63 =	vmul.f32 v32, v0;
	v28 =	vadd.f32 v28, v29  }
0x200: {  	v47 =	vadd.f32 v48, v47;
	v42 =	vmul.f32 v58, v42;
	v45 =	vmul.f32 v44, v45  }
0x201: {  	v48 =	vmul.f32 v32, v2;
	v33 =	vmax.f32 v33, $1.000000000e-30;
	v28 =	vsub.f32 v31, v28  }
0x202: {  	v49 =	vmul.f32 v35, v3;
	v42 =	vsub.f32 $1.500000000e+00, v42;
	v62 =	vsub.f32 $1.500000000e+00, v45  }
0x203: {  	v45 =	vmax.f32 v47, $1.000000000e-30;
	v54 =	vshra.s32 v33, $0x1;
	v55 =	vmul.f32 $5.000000000e-01, v33  }
0x204: {  	v52 =	vshra.s32 v45, $0x1;
	v47 =	vmul.f32 $5.000000000e-01, v45;
	v28 =	vmul.f32 v28, v28  }
0x205: {  	v56 =	vsub.s32 $0x5F3759DF, v54;
	v41 =	vmul.f32 v58, v42;
	v42 =	vmul.f32 v44, v62  }
0x206: {  	v29 =	vadd.f32 v49, v48;
	v58 =	vmul.f32 v56, v55;
	v44 =	vmul.f32 v35, v1  }
0x207: {  	v37 =	vmul.f32 v41, v37;
	v41 =	vsub.s32 $0x5F3759DF, v52;
	v34 =	vmul.f32 v42, v34  }
0x208: {  	v60 =	vmul.f32 v56, v58;
	v53 =	vmul.f32 v41, v47;
	v47 =	vadd.f32 v44, v63  }
0x209: {  	v29 =	vmax.f32 v29, $1.000000000e-30;
	v37 =	vsub.f32 $0.0e+00, v37;
	v34 =	vsub.f32 $0.0e+00, v34  }
0x20a: {  	v54 =	vmul.f32 $5.000000000e-01, v29;
	v62 =	vsub.f32 $1.500000000e+00, v60;
	v57 =	vmul.f32 v41, v53  }
0x20b: {  	v36 =	vmax.f32 v47, $1.000000000e-30;
	v53 =	vld [tilespmem:s25+$0xFFFFF820];
	v37 =	vmul.f32 $1.442695020e+00, v37;
	v34 =	vmul.f32 $1.442695020e+00, v34  }
0x20c: {  	v38 =	vmul.f32 v56, v62;
	v51 =	vmul.f32 $5.000000000e-01, v36  }
0x20d: {  	v56 =	vmul.f32 v28, v1;
	v28 =	vmul.f32 v28, v3;
	v59 =	vsub.f32 $1.500000000e+00, v57  }
0x20e: {  	v50 =	vshra.s32 v36, $0x1;
	(erf) = vpow2.f32 v37;
	v33 =	vmul.f32 v38, v33  }
0x20f: {  	v52 =	vsub.s32 $0x5F3759DF, v50;
	v57 =	vld [tilespmem:s25+$0xFFFFFA20];
	v61 =	vmul.f32 v41, v59;
	(erf) = vpow2.f32 v34  }
0x210: {  	v58 =	vshra.s32 v29, $0x1;
	v34 =	vmul.f32 v52, v51;
	v31 =	vtrunc.f32 v53  }
0x211: {  	v37 =	vmul.f32 v61, v45;
	v45 =	vadd.f32 v46, v43;
	v31 =	vcvt.f32.s32 v31  }
0x212: {  	v41 =	vsub.s32 $0x5F3759DF, v58;
	v33 =	vsub.f32 $0.0e+00, v33;
	v34 =	vmul.f32 v52, v34  }
0x213: {  	v60 =	vmul.f32 v41, v54;
	v30 =	vsub.f32 v30, v45;
	v61 =	vshll.u32 v31, $0x3  }
0x214: {  	v62 =	vtrunc.f32 v57;
	v34 =	vsub.f32 $1.500000000e+00, v34;
	v63 =	vor.u32 $0x1, v61  }
0x215: {  	v40 =	vcvt.f32.s32 v62;
	v30 =	vmul.f32 v30, v30  }
0x216: {  	v35 =	vld [tilespmem:s25+$0x420];
	v33 =	vmul.f32 $1.442695020e+00, v33;
	v46 =	vsub.f32 $0.0e+00, v37;
	v32 =	vmul.f32 v52, v34  }
0x217: {  	v34 =	vld [tilespmem:s25+$0x220];
	v40 =	vshll.u32 v40, $0x3;
	v55 =	vmul.f32 v30, v0;
	v30 =	vmul.f32 v30, v2  }
0x218: {  	v37 =	vmul.f32 $1.442695020e+00, v46;
	v32 =	vmul.f32 v32, v36;
	v53 =	vld.idx.msk [tilespmem:v61+s30+$0x0], $0xffff  }
0x219: {  	v54 =	vor.u32 $0x1, v40;
	v59 =	vadd.f32 v56, v55;
	v28 =	vadd.f32 v28, v30;
	v56 =	vld.idx.msk [tilespmem:v63+s30+$0x0], $0xffff  }
0x21a: {  	(erf) = vpow2.f32 v37;
	v55 =	vmul.f32 v41, v60;
	v30 =	vld.idx.msk [tilespmem:v61+s31+$0x0], $0xffff;
	v32 =	vsub.f32 $0.0e+00, v32  }
0x21b: {  	(erf) = vpow2.f32 v33;
	v57 =	vld.idx.msk [tilespmem:v63+s31+$0x0], $0xffff;
	v31 =	vmax.f32 v59, $1.000000000e-30;
	v28 =	vmax.f32 v28, $1.000000000e-30  }
0x21c: {  	v60 =	vld.idx.msk [tilespmem:v40+s30+$0x0], $0xffff;
	v36 =	vsub.f32 $1.500000000e+00, v55;
	v32 =	vmul.f32 $1.442695020e+00, v32;
	v48 =	vshra.s32 v31, $0x1  }
0x21d: {  	v40 =	vld.idx.msk [tilespmem:v40+s31+$0x0], $0xffff;
	v49 =	vmul.f32 $5.000000000e-01, v31;
	v50 =	vshra.s32 v28, $0x1;
	v51 =	vmul.f32 $5.000000000e-01, v28  }
0x21e: {  	v61 =	vld.idx.msk [tilespmem:v54+s30+$0x0], $0xffff;
	v52 =	vsub.s32 $0x5F3759DF, v48;
	v36 =	vmul.f32 v41, v36;
	(erf) = vpow2.f32 v32  }
0x21f: {  	v62 =	vld.idx.msk [tilespmem:v54+s31+$0x0], $0xffff;
	v43 =	vsub.s32 $0x5F3759DF, v50;
	v63 =	vmul.f32 v53, v34;
	v42 =	vmul.f32 v52, v49  }
0x220: {  	v44 =	vmul.f32 v43, v51;
	v30 =	vmul.f32 v30, v35  }
0x221: {  	v48 =	vmul.f32 v56, v34;
	v42 =	vmul.f32 v52, v42  }
0x222: {  	v37 =	vmul.f32 v57, v35;
	v44 =	vmul.f32 v43, v44  }
0x223: {  	v29 =	vmul.f32 v36, v29;
	v40 =	vmul.f32 v40, v35;
	v58 =	vsub.f32 $1.500000000e+00, v42  }
0x224: {  	v50 =	vmul.f32 v61, v34;
	v32 =	vmul.f32 v62, v35;
	v59 =	vsub.f32 $1.500000000e+00, v44  }
0x225: {  	v42 =	vmul.f32 v60, v34;
	v33 =	vmul.f32 v52, v58  }
0x226: {  	v38 =	vadd.f32 v30, v63;
	v29 =	vsub.f32 $0.0e+00, v29;
	v39 =	vmul.f32 v43, v59  }
0x227: {  	v32 =	vadd.f32 v32, v50;
	v53 =	vadd.f32 v40, v42;
	v31 =	vmul.f32 v33, v31  }
0x228: {  	v29 =	vmul.f32 $1.442695020e+00, v29;
	v52 =	vld [tilespmem:s25+$0xFFFFFC20];
	v28 =	vmul.f32 v39, v28;
	v39 =	vadd.f32 v37, v48  }
0x229: {  	v56 =	vsub.f32 v38, v53;
	v31 =	vsub.f32 $0.0e+00, v31  }
0x22a: {  	(erf) = vpow2.f32 v29;
	v49 =	vsub.f32 $0.0e+00, v28;
	v32 =	vsub.f32 v39, v32  }
0x22b: {  	v41 =	vld [tilespmem:s25+$0x810];
	v30 =	vmul.f32 v56, v56;
	v51 =	vmul.f32 $1.442695020e+00, v31  }
0x22c: {  	v43 =	vld [tilespmem:s25+$0x610];
	v54 =	vmul.f32 $1.442695020e+00, v49;
	v32 =	vmul.f32 v32, v32  }
0x22d: {  	v31 =	vtrunc.f32 v52;
	v59 =	vmul.f32 v30, v0  }
0x22e: {  	v28 =	vpop (erf);
	v30 =	vmul.f32 v30, v2;
	v31 =	vcvt.f32.s32 v31  }
0x22f: {  	v49 =	vld [tilespmem:s25+$0x20];
	v55 =	vpop (erf);
	(erf) = vpow2.f32 v51;
	v60 =	vmul.f32 v32, v1  }
0x230: {  	v58 =	vpop (erf);
	v32 =	vmul.f32 v32, v3;
	(erf) = vpow2.f32 v54;
	v31 =	vshll.u32 v31, $0x3  }
0x231: {  	v57 =	vmul.f32 v55, v43;
	v29 =	vmul.f32 v58, v41;
	v61 =	vpop (erf);
	v36 =	vadd.f32 v60, v59  }
0x232: {  	v62 =	vpop (erf);
	v33 =	vmul.f32 v61, v43;
	v30 =	vadd.f32 v32, v30;
	v55 =	vor.u32 $0x1, v31  }
0x233: {  	v59 =	vld [tilespmem:s25+$0xFFFFFE20];
	v29 =	vadd.f32 v29, v57;
	v63 =	vmul.f32 v62, v41;
	v36 =	vmax.f32 v36, $1.000000000e-30  }
0x234: {  	v49 =	vtrunc.f32 v49;
	v48 =	vmax.f32 v30, $1.000000000e-30;
	v56 =	vshra.s32 v36, $0x1  }
0x235: {  	v53 =	vpop (erf);
	v57 =	vmul.f32 $5.000000000e-01, v36;
	v50 =	vshra.s32 v48, $0x1;
	v51 =	vmul.f32 $5.000000000e-01, v48;
	v61 =	vld.idx.msk [tilespmem:v31+s30+$0x0], $0xffff  }
0x236: {  	v40 =	vmul.f32 v53, v43;
	v44 =	vsub.s32 $0x5F3759DF, v56;
	v50 =	vsub.s32 $0x5F3759DF, v50;
	v62 =	vld.idx.msk [tilespmem:v31+s31+$0x0], $0xffff  }
0x237: {  	v54 =	vpop (erf);
	v45 =	vmul.f32 v44, v57;
	v52 =	vmul.f32 v50, v51;
	v53 =	vld.idx.msk [tilespmem:v55+s30+$0x0], $0xffff  }
0x238: {  	v32 =	vmul.f32 v54, v41;
	v54 =	vtrunc.f32 v59;
	v58 =	vpop (erf)  }
0x239: {  	v30 =	vadd.f32 v63, v33;
	v42 =	vld.idx.msk [tilespmem:v55+s31+$0x0], $0xffff;
	v63 =	vmul.f32 v44, v45;
	v55 =	vmul.f32 v50, v52;
	v60 =	vpop (erf)  }
0x23a: {  	v43 =	vmul.f32 v58, v43;
	v41 =	vmul.f32 v60, v41  }
0x23b: {  	v32 =	vadd.f32 v32, v40;
	v33 =	vmul.f32 v62, v35;
	v62 =	vcvt.f32.s32 v49  }
0x23c: {  	v37 =	vsub.f32 $1.500000000e+00, v63;
	v58 =	vmul.f32 v61, v34;
	v40 =	vmul.f32 v53, v34  }
0x23d: {  	v31 =	vadd.f32 v41, v43;
	v41 =	vcvt.f32.s32 v54;
	v52 =	vshll.u32 v62, $0x3  }
0x23e: {  	v56 =	vadd.f32 v30, v29;
	v42 =	vmul.f32 v42, v35;
	v37 =	vmul.f32 v44, v37  }
0x23f: {  	v43 =	vsub.f32 $1.500000000e+00, v55;
	v33 =	vadd.f32 v33, v58;
	v41 =	vshll.u32 v41, $0x3  }
0x240: {  	v40 =	vadd.f32 v42, v40;
	v57 =	vadd.f32 v31, v32;
	v36 =	vmul.f32 v37, v36  }
0x241: {  	v60 =	vmul.f32 v50, v43;
	v33 =	vsub.f32 v38, v33;
	v59 =	vor.u32 $0x1, v41  }
0x242: {  	v40 =	vsub.f32 v39, v40;
	v61 =	vadd.f32 v57, v56;
	v56 =	vld.idx.msk [tilespmem:v52+s30+$0x0], $0xffff  }
0x243: {  	v45 =	vor.u32 $0x1, v52;
	v36 =	vsub.f32 $0.0e+00, v36;
	v37 =	vmul.f32 v60, v48;
	v43 =	vld.idx.msk [tilespmem:v52+s31+$0x0], $0xffff  }
0x244: {  	v33 =	vmul.f32 v33, v33;
	v40 =	vmul.f32 v40, v40;
	v63 =	vld.idx.msk [tilespmem:v41+s30+$0x0], $0xffff  }
0x245: {  	v36 =	vmul.f32 $1.442695020e+00, v36;
	v37 =	vsub.f32 $0.0e+00, v37;
	v41 =	vld.idx.msk [tilespmem:v41+s31+$0x0], $0xffff  }
0x246: {  	v57 =	vmul.f32 v33, v0;
	v58 =	vmul.f32 v40, v1;
	v53 =	vld.idx.msk [tilespmem:v59+s30+$0x0], $0xffff  }
0x247: {  	(erf) = vrcp.f32 v61;
	v54 =	vmul.f32 $1.442695020e+00, v37;
	v55 =	vld.idx.msk [tilespmem:v59+s31+$0x0], $0xffff  }
0x248: {  	v40 =	vmul.f32 v40, v3;
	(erf) = vpow2.f32 v36;
	v59 =	vld.idx.msk [tilespmem:v45+s30+$0x0], $0xffff;
	v47 =	vadd.f32 v58, v57  }
0x249: {  	v45 =	vld.idx.msk [tilespmem:v45+s31+$0x0], $0xffff;
	(erf) = vpow2.f32 v54;
	v46 =	vmul.f32 v56, v34  }
0x24a: {  	v43 =	vmul.f32 v43, v35;
	v61 =	vmax.f32 v47, $1.000000000e-30;
	v42 =	vmul.f32 v63, v34  }
0x24b: {  	v41 =	vmul.f32 v41, v35;
	v47 =	vmul.f32 $5.000000000e-01, v61  }
0x24c: {  	v62 =	vshra.s32 v61, $0x1;
	v63 =	vmul.f32 v33, v2;
	v44 =	vmul.f32 v53, v34  }
0x24d: {  	v43 =	vadd.f32 v43, v46;
	v60 =	vmul.f32 v55, v35;
	v48 =	vmul.f32 v59, v34  }
0x24e: {  	v36 =	vld [tilespmem:s25+$0x620];
	v49 =	vsub.s32 $0x5F3759DF, v62;
	v45 =	vmul.f32 v45, v35;
	v41 =	vadd.f32 v41, v42  }
0x24f: {  	v47 =	vmul.f32 v49, v47;
	v40 =	vadd.f32 v40, v63;
	v44 =	vadd.f32 v60, v44  }
0x250: {  	v45 =	vadd.f32 v45, v48;
	v41 =	vsub.f32 v38, v41  }
0x251: {  	v37 =	vld [tilespmem:s25+$0x820];
	v33 =	vpop (erf);
	v54 =	vmul.f32 v49, v47;
	v40 =	vmax.f32 v40, $1.000000000e-30;
	v38 =	vsub.f32 v38, v43  }
0x252: {  	v52 =	vpop (erf);
	v44 =	vsub.f32 v39, v44;
	v55 =	vshra.s32 v40, $0x1;
	v56 =	vmul.f32 $5.000000000e-01, v40  }
0x253: {  	v39 =	vsub.f32 v39, v45;
	v34 =	vmul.f32 v52, v36;
	v41 =	vmul.f32 v41, v41  }
0x254: {  	v47 =	vsub.s32 $0x5F3759DF, v55;
	v38 =	vmul.f32 v38, v38;
	v44 =	vmul.f32 v44, v44  }
0x255: {  	v46 =	vsub.f32 $1.500000000e+00, v54;
	v53 =	vpop (erf);
	v58 =	vmul.f32 v47, v56;
	v39 =	vmul.f32 v39, v39  }
0x256: {  	v35 =	vmul.f32 v53, v37;
	v57 =	vmul.f32 v41, v0  }
0x257: {  	v46 =	vmul.f32 v49, v46;
	v41 =	vmul.f32 v41, v2  }
0x258: {  	v63 =	vmul.f32 v38, v0;
	v38 =	vmul.f32 v38, v2  }
0x259: {  	v52 =	vmul.f32 v44, v1;
	v44 =	vmul.f32 v44, v3  }
0x25a: {  	v60 =	vmul.f32 v47, v58;
	v54 =	vmul.f32 v39, v1  }
0x25b: {  	v39 =	vmul.f32 v39, v3;
	v59 =	vadd.f32 v52, v57;
	v41 =	vadd.f32 v44, v41  }
0x25c: {  	v42 =	vmul.f32 v46, v61;
	v43 =	vsub.f32 $1.500000000e+00, v60;
	v48 =	vadd.f32 v54, v63  }
0x25d: {  	v57 =	vld [tilespmem:s25+$0xFFFFF830];
	v38 =	vadd.f32 v39, v38;
	v45 =	vmax.f32 v59, $1.000000000e-30;
	v41 =	vmax.f32 v41, $1.000000000e-30  }
0x25e: {  	v63 =	vld [tilespmem:s25+$0xFFFFFA30];
	v43 =	vmul.f32 v47, v43;
	v47 =	vmax.f32 v48, $1.000000000e-30;
	v61 =	vshra.s32 v45, $0x1  }
0x25f: {  	v62 =	vshra.s32 v41, $0x1;
	v55 =	vmul.f32 $5.000000000e-01, v45;
	v56 =	vmul.f32 $5.000000000e-01, v41  }
0x260: {  	v44 =	vsub.s32 $0x5F3759DF, v61;
	v46 =	vsub.s32 $0x5F3759DF, v62;
	v61 =	vmul.f32 $5.000000000e-01, v47  }
0x261: {  	v62 =	vmax.f32 v38, $1.000000000e-30;
	v40 =	vmul.f32 v43, v40;
	v50 =	vmul.f32 v44, v55  }
0x262: {  	v60 =	vshra.s32 v47, $0x1;
	v51 =	vmul.f32 v46, v56;
	v54 =	vmul.f32 $5.000000000e-01, v62  }
0x263: {  	v53 =	vshra.s32 v62, $0x1;
	v49 =	vtrunc.f32 v57;
	v38 =	vtrunc.f32 v63  }
0x264: {  	v49 =	vcvt.f32.s32 v49;
	v58 =	vmul.f32 v44, v50;
	v50 =	vsub.s32 $0x5F3759DF, v60  }
0x265: {  	v53 =	vsub.s32 $0x5F3759DF, v53;
	v59 =	vmul.f32 v46, v51;
	v51 =	vmul.f32 v50, v61  }
0x266: {  	v56 =	vmul.f32 v53, v54;
	v49 =	vshll.u32 v49, $0x3;
	v39 =	vsub.f32 $1.500000000e+00, v58  }
0x267: {  	v48 =	vsub.f32 $1.500000000e+00, v59;
	v59 =	vcvt.f32.s32 v38;
	v51 =	vmul.f32 v50, v51  }
0x268: {  	v55 =	vld [tilespmem:s25+$0xFFFFFC30];
	v43 =	vmul.f32 v53, v56;
	v57 =	vor.u32 $0x1, v49;
	v39 =	vmul.f32 v44, v39  }
0x269: {  	v38 =	vld [tilespmem:s25+$0x230];
	v46 =	vmul.f32 v46, v48;
	v60 =	vshll.u32 v59, $0x3;
	v58 =	vsub.f32 $1.500000000e+00, v51  }
0x26a: {  	v42 =	vsub.f32 $0.0e+00, v42;
	v43 =	vsub.f32 $1.500000000e+00, v43;
	v45 =	vmul.f32 v39, v45;
	v39 =	vld [tilespmem:s25+$0x430]  }
0x26b: {  	v61 =	vor.u32 $0x1, v60;
	v41 =	vmul.f32 v46, v41;
	v46 =	vld.idx.msk [tilespmem:v49+s30+$0x0], $0xffff;
	v44 =	vmul.f32 v50, v58  }
0x26c: {  	v42 =	vmul.f32 $1.442695020e+00, v42;
	v40 =	vsub.f32 $0.0e+00, v40;
	v49 =	vld.idx.msk [tilespmem:v49+s31+$0x0], $0xffff  }
0x26d: {  	v43 =	vmul.f32 v53, v43;
	v45 =	vsub.f32 $0.0e+00, v45;
	v44 =	vmul.f32 v44, v47;
	v47 =	vld.idx.msk [tilespmem:v57+s30+$0x0], $0xffff  }
0x26e: {  	(erf) = vpow2.f32 v42;
	v40 =	vmul.f32 $1.442695020e+00, v40;
	v54 =	vld.idx.msk [tilespmem:v60+s30+$0x0], $0xffff  }
0x26f: {  	v41 =	vsub.f32 $0.0e+00, v41;
	v43 =	vmul.f32 v43, v62;
	v62 =	vmul.f32 $1.442695020e+00, v45;
	v45 =	vld.idx.msk [tilespmem:v57+s31+$0x0], $0xffff  }
0x270: {  	(erf) = vpow2.f32 v40;
	v58 =	vtrunc.f32 v55;
	v53 =	vld.idx.msk [tilespmem:v61+s30+$0x0], $0xffff  }
0x271: {  	v63 =	vmul.f32 $1.442695020e+00, v41;
	v51 =	vsub.f32 $0.0e+00, v43;
	v57 =	vld.idx.msk [tilespmem:v60+s31+$0x0], $0xffff;
	v60 =	vcvt.f32.s32 v58  }
0x272: {  	v59 =	vld.idx.msk [tilespmem:v61+s31+$0x0], $0xffff;
	v44 =	vsub.f32 $0.0e+00, v44;
	v61 =	vmul.f32 v46, v38;
	(erf) = vpow2.f32 v62  }
0x273: {  	v56 =	vmul.f32 $1.442695020e+00, v51;
	v62 =	vmul.f32 v49, v39  }
0x274: {  	v40 =	vshll.u32 v60, $0x3;
	v52 =	vmul.f32 $1.442695020e+00, v44;
	(erf) = vpow2.f32 v63  }
0x275: {  	v47 =	vmul.f32 v47, v38;
	v43 =	vmul.f32 v54, v38  }
0x276: {  	v63 =	vld [tilespmem:s25+$0xFFFFFE30];
	v45 =	vmul.f32 v45, v39;
	v41 =	vmul.f32 v57, v39  }
0x277: {  	v44 =	vmul.f32 v53, v38;
	v48 =	vmul.f32 v59, v39  }
0x278: {  	v42 =	vadd.f32 v62, v61;
	(erf) = vpow2.f32 v52;
	v45 =	vadd.f32 v45, v47  }
0x279: {  	v54 =	vpop (erf);
	v41 =	vadd.f32 v41, v43;
	v57 =	vadd.f32 v48, v44;
	v62 =	vld.idx.msk [tilespmem:v40+s30+$0x0], $0xffff  }
0x27a: {  	v50 =	vmul.f32 v54, v36;
	(erf) = vpow2.f32 v56;
	v47 =	vor.u32 $0x1, v40;
	v40 =	vld.idx.msk [tilespmem:v40+s31+$0x0], $0xffff  }
0x27b: {  	v55 =	vpop (erf);
	v49 =	vtrunc.f32 v63;
	v41 =	vsub.f32 v42, v41;
	v43 =	vsub.f32 v45, v57  }
0x27c: {  	v44 =	vmul.f32 v55, v37;
	v49 =	vcvt.f32.s32 v49  }
0x27d: {  	v56 =	vpop (erf);
	v41 =	vmul.f32 v41, v41;
	v43 =	vmul.f32 v43, v43  }
0x27e: {  	v46 =	vmul.f32 v56, v36;
	v58 =	vpop (erf);
	v52 =	vmul.f32 v62, v38  }
0x27f: {  	v34 =	vadd.f32 v35, v34;
	v61 =	vld [tilespmem:s25+$0x30];
	v40 =	vmul.f32 v40, v39;
	v48 =	vmul.f32 v58, v37  }
0x280: {  	v49 =	vshll.u32 v49, $0x3;
	v63 =	vmul.f32 v41, v0;
	v56 =	vmul.f32 v43, v1  }
0x281: {  	v54 =	vld.idx.msk [tilespmem:v47+s30+$0x0], $0xffff;
	v41 =	vmul.f32 v41, v2;
	v43 =	vmul.f32 v43, v3;
	v59 =	vpop (erf);
	v40 =	vadd.f32 v40, v52  }
0x282: {  	v51 =	vmul.f32 v59, v36;
	v36 =	vadd.f32 v44, v50;
	v35 =	vadd.f32 v48, v46  }
0x283: {  	v60 =	vpop (erf);
	v44 =	vor.u32 $0x1, v49;
	v59 =	vadd.f32 v56, v63;
	v41 =	vadd.f32 v43, v41  }
0x284: {  	v46 =	vld.idx.msk [tilespmem:v47+s31+$0x0], $0xffff;
	v37 =	vmul.f32 v60, v37;
	v60 =	vtrunc.f32 v61;
	v40 =	vsub.f32 v42, v40  }
0x285: {  	v61 =	vld.idx.msk [tilespmem:v49+s30+$0x0], $0xffff;
	v48 =	vadd.f32 v36, v34;
	v50 =	vcvt.f32.s32 v60;
	v47 =	vmax.f32 v59, $1.000000000e-30  }
0x286: {  	v49 =	vld.idx.msk [tilespmem:v49+s31+$0x0], $0xffff;
	v54 =	vmul.f32 v54, v38;
	v41 =	vmax.f32 v41, $1.000000000e-30;
	v37 =	vadd.f32 v37, v51  }
0x287: {  	v62 =	vshra.s32 v47, $0x1;
	v63 =	vmul.f32 $5.000000000e-01, v47;
	v60 =	vshra.s32 v41, $0x1  }
0x288: {  	v40 =	vmul.f32 v40, v40;
	v55 =	vsub.s32 $0x5F3759DF, v62;
	v50 =	vshll.u32 v50, $0x3  }
0x289: {  	v51 =	vadd.f32 v37, v35;
	v46 =	vmul.f32 v46, v39;
	v56 =	vmul.f32 v55, v63  }
0x28a: {  	v57 =	vld.idx.msk [tilespmem:v44+s30+$0x0], $0xffff;
	v59 =	vor.u32 $0x1, v50;
	v58 =	vmul.f32 v61, v38;
	v61 =	vmul.f32 $5.000000000e-01, v41  }
0x28b: {  	v49 =	vmul.f32 v49, v39;
	v46 =	vadd.f32 v46, v54;
	v54 =	vsub.s32 $0x5F3759DF, v60  }
0x28c: {  	v44 =	vld.idx.msk [tilespmem:v44+s31+$0x0], $0xffff;
	v48 =	vadd.f32 v51, v48;
	v51 =	vmul.f32 v55, v56;
	v62 =	vmul.f32 v54, v61  }
0x28d: {  	v43 =	vadd.f32 v49, v58;
	v61 =	vmul.f32 v40, v0;
	v40 =	vmul.f32 v40, v2  }
0x28e: {  	(erf) = vrcp.f32 v48;
	v51 =	vsub.f32 $1.500000000e+00, v51;
	v53 =	vld.idx.msk [tilespmem:v50+s30+$0x0], $0xffff;
	v46 =	vsub.f32 v45, v46  }
0x28f: {  	v50 =	vld.idx.msk [tilespmem:v50+s31+$0x0], $0xffff;
	v52 =	vmul.f32 v57, v38;
	v60 =	vmul.f32 v54, v62;
	v43 =	vsub.f32 v42, v43  }
0x290: {  	v51 =	vmul.f32 v55, v51;
	v46 =	vmul.f32 v46, v46  }
0x291: {  	v63 =	vld.idx.msk [tilespmem:v59+s30+$0x0], $0xffff;
	v44 =	vmul.f32 v44, v39;
	v43 =	vmul.f32 v43, v43  }
0x292: {  	v48 =	vld.idx.msk [tilespmem:v59+s31+$0x0], $0xffff;
	v49 =	vsub.f32 $1.500000000e+00, v60;
	v47 =	vmul.f32 v51, v47;
	v62 =	vmul.f32 v46, v1  }
0x293: {  	v44 =	vadd.f32 v44, v52;
	v46 =	vmul.f32 v46, v3;
	v53 =	vmul.f32 v53, v38  }
0x294: {  	v50 =	vmul.f32 v50, v39;
	v49 =	vmul.f32 v54, v49  }
0x295: {  	v44 =	vsub.f32 v45, v44;
	v55 =	vmul.f32 v43, v0;
	v43 =	vmul.f32 v43, v2  }
0x296: {  	v47 =	vsub.f32 $0.0e+00, v47;
	v51 =	vadd.f32 v62, v61;
	v38 =	vmul.f32 v63, v38  }
0x297: {  	v39 =	vmul.f32 v48, v39;
	v40 =	vadd.f32 v46, v40;
	v41 =	vmul.f32 v49, v41  }
0x298: {  	v50 =	vadd.f32 v50, v53;
	v44 =	vmul.f32 v44, v44;
	v47 =	vmul.f32 $1.442695020e+00, v47  }
0x299: {  	v38 =	vadd.f32 v39, v38;
	v40 =	vmax.f32 v40, $1.000000000e-30;
	v41 =	vsub.f32 $0.0e+00, v41  }
0x29a: {  	v56 =	vmul.f32 v44, v1;
	v57 =	vshra.s32 v40, $0x1;
	v58 =	vmul.f32 $5.000000000e-01, v40  }
0x29b: {  	v42 =	vsub.f32 v42, v50;
	v44 =	vmul.f32 v44, v3;
	(erf) = vpow2.f32 v47  }
0x29c: {  	v47 =	vmax.f32 v51, $1.000000000e-30;
	v39 =	vsub.s32 $0x5F3759DF, v57;
	v38 =	vsub.f32 v45, v38  }
0x29d: {  	v63 =	vshra.s32 v47, $0x1;
	v52 =	vmul.f32 $5.000000000e-01, v47;
	v53 =	vmul.f32 $1.442695020e+00, v41  }
0x29e: {  	v46 =	vadd.f32 v56, v55;
	v59 =	vmul.f32 v39, v58;
	v42 =	vmul.f32 v42, v42  }
0x29f: {  	v43 =	vadd.f32 v44, v43;
	v48 =	vsub.s32 $0x5F3759DF, v63;
	v38 =	vmul.f32 v38, v38  }
0x2a0: {  	v54 =	vmul.f32 v48, v52;
	(erf) = vpow2.f32 v53;
	v45 =	vmax.f32 v46, $1.000000000e-30  }
0x2a1: {  	v46 =	vmul.f32 v39, v59;
	v62 =	vmul.f32 v42, v0;
	v43 =	vmax.f32 v43, $1.000000000e-30  }
0x2a2: {  	v42 =	vmul.f32 v42, v2;
	v60 =	vmul.f32 $5.000000000e-01, v45;
	v61 =	vshra.s32 v45, $0x1  }
0x2a3: {  	v63 =	vmul.f32 v38, v1;
	v38 =	vmul.f32 v38, v3;
	v56 =	vshra.s32 v43, $0x1  }
0x2a4: {  	v57 =	vmul.f32 $5.000000000e-01, v43;
	v41 =	vmul.f32 v48, v54;
	v44 =	vsub.s32 $0x5F3759DF, v61  }
0x2a5: {  	v51 =	vsub.s32 $0x5F3759DF, v56;
	v46 =	vsub.f32 $1.500000000e+00, v46;
	v50 =	vadd.f32 v63, v62  }
0x2a6: {  	v38 =	vadd.f32 v38, v42;
	v58 =	vmul.f32 v44, v60;
	v59 =	vmul.f32 v51, v57  }
0x2a7: {  	v41 =	vsub.f32 $1.500000000e+00, v41;
	v39 =	vmul.f32 v39, v46;
	v50 =	vmax.f32 v50, $1.000000000e-30  }
0x2a8: {  	v38 =	vmax.f32 v38, $1.000000000e-30;
	v42 =	vmul.f32 v44, v58;
	v60 =	vshra.s32 v50, $0x1  }
0x2a9: {  	v61 =	vmul.f32 $5.000000000e-01, v50;
	v62 =	vshra.s32 v38, $0x1;
	v63 =	vmul.f32 $5.000000000e-01, v38  }
0x2aa: {  	v49 =	vmul.f32 v51, v59;
	v52 =	vsub.s32 $0x5F3759DF, v60;
	v54 =	vsub.s32 $0x5F3759DF, v62  }
0x2ab: {  	v53 =	vmul.f32 v52, v61;
	v55 =	vmul.f32 v54, v63  }
0x2ac: {  	v41 =	vmul.f32 v48, v41;
	v39 =	vmul.f32 v39, v40;
	v42 =	vsub.f32 $1.500000000e+00, v42  }
0x2ad: {  	v57 =	vsub.f32 $1.500000000e+00, v49;
	v56 =	vmul.f32 v52, v53;
	v58 =	vmul.f32 v54, v55  }
0x2ae: {  	v41 =	vmul.f32 v41, v47;
	v39 =	vsub.f32 $0.0e+00, v39;
	v42 =	vmul.f32 v44, v42  }
0x2af: {  	v60 =	vmul.f32 v51, v57;
	v59 =	vsub.f32 $1.500000000e+00, v56;
	v61 =	vsub.f32 $1.500000000e+00, v58  }
0x2b0: {  	v41 =	vsub.f32 $0.0e+00, v41;
	v39 =	vmul.f32 $1.442695020e+00, v39;
	v42 =	vmul.f32 v42, v45  }
0x2b1: {  	v44 =	vmul.f32 v52, v59;
	v62 =	vmul.f32 v54, v61  }
0x2b2: {  	v40 =	vmul.f32 v60, v43;
	v41 =	vmul.f32 $1.442695020e+00, v41;
	v42 =	vsub.f32 $0.0e+00, v42  }
0x2b3: {  	v44 =	vmul.f32 v44, v50;
	v38 =	vmul.f32 v62, v38  }
0x2b4: {  	v40 =	vsub.f32 $0.0e+00, v40;
	(erf) = vpow2.f32 v41;
	v63 =	vmul.f32 $1.442695020e+00, v42  }
0x2b5: {  	(erf) = vpow2.f32 v39;
	v45 =	vsub.f32 $0.0e+00, v44;
	v38 =	vsub.f32 $0.0e+00, v38  }
0x2b6: {  	v46 =	vmul.f32 $1.442695020e+00, v40;
	(erf) = vpow2.f32 v63  }
0x2b7: {  	v47 =	vmul.f32 $1.442695020e+00, v45;
	v38 =	vmul.f32 $1.442695020e+00, v38  }
0x2b8: {  	(erf) = vpow2.f32 v46  }
0x2b9: {  	v4 =	vmul.f32 v8, v4;
	(erf) = vpow2.f32 v47  }
0x2ba: {  	(erf) = vpow2.f32 v38  }
0x2bb: {  	[tilespmem:s26+$0xFFFFFC00] =	vst v4;
	v4 =	vmul.f32 v8, v7;
	v48 =	vld [tilespmem:s25+$0x630];
	v38 =	vpop (erf)  }
0x2bc: {  	v5 =	vmul.f32 v8, v5;
	v50 =	vld [tilespmem:s25+$0x830];
	v49 =	vpop (erf)  }
0x2bd: {  	v6 =	vmul.f32 v8, v6;
	[tilespmem:s26+$0x0] =	vst v4;
	v4 =	vmul.f32 v13, v10;
	v51 =	vpop (erf)  }
0x2be: {  	[tilespmem:s26+$0x200] =	vst v5;
	v5 =	vmul.f32 v13, v12;
	v43 =	vmul.f32 v23, v19;
	v53 =	vpop (erf)  }
0x2bf: {  	[tilespmem:s26+$0xFFFFFE00] =	vst v6;
	v56 =	vmul.f32 v18, v16;
	v58 =	vmul.f32 v18, v17;
	v55 =	vpop (erf)  }
0x2c0: {  	[tilespmem:s26+$0xFFFFFE10] =	vst v4;
	v52 =	vmul.f32 v13, v9;
	v54 =	vmul.f32 v13, v11;
	v57 =	vpop (erf)  }
0x2c1: {  	[tilespmem:s26+$0x210] =	vst v5;
	v59 =	vmul.f32 v49, v48;
	v4 =	vmul.f32 v51, v50;
	v60 =	vpop (erf)  }
0x2c2: {  	[tilespmem:s26+$0xFFFFFC30] =	vst v43;
	v8 =	vmul.f32 v53, v48;
	v62 =	vmul.f32 v55, v50;
	v61 =	vpop (erf)  }
0x2c3: {  	[tilespmem:s26+$0xFFFFFC20] =	vst v56;
	v63 =	vmul.f32 v57, v48;
	v5 =	vmul.f32 v60, v50;
	v40 =	vpop (erf)  }
0x2c4: {  	[tilespmem:s26+$0xFFFFFE20] =	vst v58;
	v39 =	vmul.f32 v61, v48;
	v7 =	vmul.f32 v40, v50  }
0x2c5: {  	v41 =	vmul.f32 v18, v14;
	[tilespmem:s26+$0xFFFFFC10] =	vst v52;
	v4 =	vadd.f32 v4, v59;
	v8 =	vadd.f32 v62, v8  }
0x2c6: {  	v56 =	vmul.f32 v33, v32;
	[tilespmem:s26+$0x10] =	vst v54;
	v5 =	vadd.f32 v5, v63;
	v7 =	vadd.f32 v7, v39  }
0x2c7: {  	v42 =	vmul.f32 v18, v15;
	[tilespmem:s26+$0x20] =	vst v41  }
0x2c8: {  	v52 =	vmul.f32 v28, v26;
	[tilespmem:s26+$0x50] =	vst v56;
	v46 =	vadd.f32 v8, v4;
	v47 =	vadd.f32 v7, v5  }
0x2c9: {  	v54 =	vmul.f32 v33, v29;
	[tilespmem:s26+$0x220] =	vst v42  }
0x2ca: {  	v44 =	vmul.f32 v23, v20;
	[tilespmem:s26+$0x40] =	vst v52;
	v49 =	vadd.f32 v47, v46  }
0x2cb: {  	[tilespmem:s26+$0xFFFFFC50] =	vst v54;
	v45 =	vmul.f32 v23, v22  }
0x2cc: {  	[tilespmem:s26+$0xFFFFFE30] =	vst v44;
	v58 =	vmul.f32 v38, v34;
	(erf) = vrcp.f32 v49  }
0x2cd: {  	[tilespmem:s26+$0x30] =	vst v45;
	v51 =	vmul.f32 v28, v25  }
0x2ce: {  	[tilespmem:s26+$0xFFFFFC60] =	vst v58;
	v53 =	vmul.f32 v28, v27  }
0x2cf: {  	[tilespmem:s26+$0xFFFFFE40] =	vst v51;
	v55 =	vmul.f32 v33, v30  }
0x2d0: {  	v59 =	vmul.f32 v38, v36;
	[tilespmem:s26+$0x240] =	vst v53  }
0x2d1: {  	v57 =	vmul.f32 v33, v31;
	[tilespmem:s26+$0xFFFFFE50] =	vst v55  }
0x2d2: {  	v60 =	vmul.f32 v38, v35;
	[tilespmem:s26+$0xFFFFFE60] =	vst v59  }
0x2d3: {  	v48 =	vmul.f32 v23, v21;
	[tilespmem:s26+$0x250] =	vst v57  }
0x2d4: {  	v61 =	vmul.f32 v38, v37;
	[tilespmem:s26+$0x60] =	vst v60  }
0x2d5: {  	s24 =	sadd.s32 $0x8, s24;
	v50 =	vmul.f32 v28, v24;
	[tilespmem:s26+$0x230] =	vst v48;
	v62 =	vpop (erf)  }
0x2d6: {  	p0 =	slt.u32 s24, $0x18;
	[tilespmem:s26+$0x260] =	vst v61;
	v4 =	vmul.f32 v62, v4  }
.Ltmp0:
0x2d7: {  	[tilespmem:s26+$0xFFFFFC40] =	vst v50;
	v63 =	vmul.f32 v62, v8;
	(pc) =	sbr.rel @p0 .LBB2_2-.Ltmp0, $4  }
0x2d8: {  	[tilespmem:s26+$0xFFFFFC70] =	vst v4;
	v4 =	vmul.f32 v62, v5  }
0x2d9: {  	[tilespmem:s26+$0xFFFFFE70] =	vst v63;
	v5 =	vmul.f32 v62, v7  }
0x2da: {  	[tilespmem:s26+$0x70] =	vst v4  }
0x2db: {  	s25 =	sadd.s32 $0x80, s25;
	[tilespmem:s26+$0x270] =	vst v5;
	s26 =	sadd.s32 $0x80, s26  }
0x2dc: {  	[hbm4b:s16+s4] =	stream.linear.scatter [tilespmem:s2], [sflag:$0x1], $0x200, $0x38;
	[tilespmem:$0x1C00] =	vst v63  }
0x2dd: {  	_ = 	snop  }
0x2de: {  	[hbm4b:s17+s4] =	stream.linear.scatter [tilespmem:s3], [sflag:$0x1], $0x200, $0x38;
	[tilespmem:$0x1C00] =	vst v63  }
0x2df: {  	_ = 	snop  }
0x2e0: {  	[hbm4b:s18+s4] =	stream.linear.scatter [tilespmem:s21], [sflag:$0x1], $0x200, $0x38;
	[tilespmem:$0x1C00] =	vst v63  }
0x2e1: {  	_ = 	snop  }
0x2e2: {  	[hbm4b:s19+s4] =	stream.linear.scatter [tilespmem:s22], [sflag:$0x1], $0x200, $0x38;
	[tilespmem:$0x1C00] =	vst v63  }
0x2e3: {  	_ =	swait.ge [sflag:s1], $0x200  }
0x2e4: {  	[sflag:s1] =	ssyncset.done $0x0  }
0x2e5: {  	[sflag:s1] =	ssyncadd.s32 $0xFFFFFE00  }
0x2e6: {  	_ =	swait.ge [sflag:s1], $0x200  }
0x2e7: {  	[sflag:s1] =	ssyncset.done $0x0  }
0x2e8: {  	s23 =	sadd.s32 $0x1, s23;
	[sflag:s1] =	ssyncadd.s32 $0xFFFFFE00  }
0x2e9: {  	p0 =	sne.s32 s23, s20;
	_ =	swait.ge [sflag:s1], $0x200  }
.Ltmp1:
0x2ea: {  	[sflag:s1] =	ssyncset.done $0x0;
	(pc) =	sbr.rel @p0 .LBB2_1-.Ltmp1, $4  }
0x2eb: {  	[sflag:s1] =	ssyncadd.s32 $0xFFFFFE00  }
0x2ec: {  	_ =	swait.ge [sflag:s1], $0x200  }
0x2ed: {  	[sflag:s1] =	ssyncset.done $0x0  }
0x2ee: {  	[sflag:s1] =	ssyncadd.s32 $0xFFFFFE00  }
0x2ef: {  	_ =	sfence.sel $0x180000  }
0x2f0: {  	[bflag:$0x0] =	sbarrier.arrive $0xFFFF  }
0x2f1: {  	_ =	strace $0x90000047  }
0x2f2: {  	s0 =	stileid.u32;
	[bflag:$0x2] =	sbarrier.arrive $0xFFFF  }
0x2f3: {  	p0 =	sne.s32 s0, $0x0;
	s0 =	rddreg [dreg:$0x4]  }
0x2f4: {  	s0 =	sadd.s32 @!p0 $0x100000, s0  }
0x2f5: {  	[sflag:s0] =	ssyncadd.tile.s32 @!p0 $0x1;
	_ =	shalt  }
.Lfunc_end2:
_tile_overlayer_lowered:
.L_overlay_start_2:
0x2f6: {  	(tag) =	ssettag $0x2  }
0x2f7: {  	s0 =	rddreg [dreg:$0x0];
	s2 =	stileid.u32  }
0x2f8: {  	s1 =	rddreg [dreg:$0x1];
	p0 =	sne.s32 s2, $0x0  }
0x2f9: {  	s3 =	rddreg [dreg:$0x2];
	[bflag:$0x3] =	sbarrier.arrive $0xFFFF;
	s2 =	simm.s32 @!p0 $0x1C02  }
0x2fa: {  	[timem:s3], [sflag:s2] =	dma.local @!p0 [hbm:s0], s1  }
0x2fb: {  	s0 =	simm.s32 @!p0 $0x2  }
0x2fc: {  	_ =	swait.ge @!p0 [sflag:s0], s1  }
0x2fd: {  	s1 =	ssub.s32 @!p0 $0x0, s1;
	[sflag:s0] =	ssyncset.done @!p0 $0x0  }
0x2fe: {  	[sflag:s0] =	ssyncadd.s32 @!p0 s1  }
0x2ff: {  	[bflag:$0x3] =	sbarrier.arrive $0xFFFF  }
0x300: {  	_ =	shalt  }

</sc_bundles>
